<compile_context>
chip_gen: v7x
topology: tpu7x:2x2x1
jax: 0.10.2.dev20260603
libtpu: 0.0.44.dev20260713+nightly
codegen_flags: <defaults>
</compile_context>

<pallas_src>
import functools

import jax
import jax.numpy as jnp
from jax import lax
from jax.experimental import pallas as pl
from jax.experimental.pallas import tpu as pltpu
from jax.experimental.pallas import tpu_sc as plsc

EMB_DIM = 128
NUM_CORES = 2
NUM_SUBCORES = 16
NUM_WORKERS = NUM_CORES * NUM_SUBCORES
BLK = 128
TOK_CHUNK = 64
PER_PLANE = BLK // TOK_CHUNK
NBUF = 10


@functools.partial(jax.jit, static_argnames=("n_tok", "seq"))
def _embedding_gather(idx_wsj, table, *, n_tok, seq):
    mesh = plsc.VectorSubcoreMesh(core_axis_name="c", subcore_axis_name="s")

    @functools.partial(
        pl.kernel,
        mesh=mesh,
        out_type=jax.ShapeDtypeStruct((seq, n_tok, EMB_DIM), jnp.float32),
        scratch_types=[
            pltpu.VMEM((seq, BLK), jnp.int32),
            pltpu.VMEM((NBUF, TOK_CHUNK, EMB_DIM), jnp.float32),
            pltpu.SemaphoreType.DMA((NBUF,)),
            pltpu.SemaphoreType.DMA((NBUF,)),
        ],
    )
    def k(idx_hbm, table_hbm, out_hbm, idx_v, bufs, gsems, ssems):
        wid = lax.axis_index("s") * NUM_CORES + lax.axis_index("c")
        tok0 = wid * BLK
        pltpu.sync_copy(idx_hbm.at[:, wid], idx_v)

        def out_at(c):
            plane = c // PER_PLANE
            off = (c % PER_PLANE) * TOK_CHUNK
            return out_hbm.at[plane, pl.ds(tok0 + off, TOK_CHUNK)]

        def idx_at(c):
            plane = c // PER_PLANE
            off = (c % PER_PLANE) * TOK_CHUNK
            return idx_v.at[plane, pl.ds(off, TOK_CHUNK)]

        def gather(c, b):
            pltpu.async_copy(table_hbm.at[idx_at(c)], bufs.at[b], gsems.at[b])

        def wait_gather(c, b):
            pltpu.make_async_copy(
                table_hbm.at[idx_at(c)], bufs.at[b], gsems.at[b]
            ).wait()

        def store(c, b):
            pltpu.async_copy(bufs.at[b], out_at(c), ssems.at[b])

        def wait_store(c, b):
            pltpu.make_async_copy(bufs.at[b], out_at(c), ssems.at[b]).wait()

        n_chunks = seq * PER_PLANE
        look = NBUF - 1

        for c in range(look):
            gather(c, c)

        def body(c, _):
            b = lax.rem(c, NBUF)
            wait_gather(c, b)
            store(c, b)
            n = c + look
            nb = lax.rem(n, NBUF)

            @pl.when(n < n_chunks)
            def _():
                @pl.when(c >= 1)
                def _():
                    wait_store(c - 1, nb)
                gather(n, nb)

            return 0

        lax.fori_loop(0, n_chunks, body, 0)
        for c in range(n_chunks - NBUF, n_chunks):
            wait_store(c, c % NBUF)

    return k(idx_wsj, table)


def kernel(token_ids, embedding_map):
    n_tok, seq = token_ids.shape
    assert n_tok % (NUM_WORKERS * BLK) == 0 and seq % 2 == 0
    idx_wsj = jnp.transpose(token_ids.astype(jnp.int32), (1, 0)).reshape(
        seq, NUM_WORKERS, BLK
    )
    out = _embedding_gather(idx_wsj, embedding_map, n_tok=n_tok, seq=seq)
    return jnp.transpose(out, (1, 0, 2))

# --- scband reference (transcript-rebuilt; emitter-appended) ---
"""Pipeline reference for scband-embedding-18622978195589 (READ-ONLY COPY).

The authoritative reference and input builder live on the scoring server;
editing this copy changes nothing except your own understanding.
"""

import jax, jax.numpy as jnp
import numpy as np

NUM_EMBEDDINGS = 100000
EMBEDDING_DIM = 128

def setup_inputs(seed: int = 0) -> dict:
    key = jax.random.key(seed)
    k1, k2 = jax.random.split(key)
    token_ids = jax.random.randint(k1, (4096, 50), 0, NUM_EMBEDDINGS, dtype=jnp.int64 if jax.config.jax_enable_x64 else jnp.int32)
    # truncated normal init in [-3, 3], mean 0, std 1 (matches nn.init.trunc_normal_)
    embedding_map = jax.random.truncated_normal(k2, -3.0, 3.0, (NUM_EMBEDDINGS, EMBEDDING_DIM), dtype=jnp.float32)
    return {"token_ids": token_ids, "embedding_map": embedding_map}

def reference(token_ids, embedding_map):
    # Faithful translation of: self.embedding_map[token_ids]
    return jnp.take(embedding_map, token_ids, axis=0)

if __name__ == "__main__":
    import jax
    _d = setup_inputs()
    print(jax.jit(kernel)(*tuple(_d.values())))

</pallas_src>

<mosaic_0001>
#map = affine_map<(d0, d1) -> (0, 0, 0)>
#map1 = affine_map<(d0, d1) -> (0, 0)>
module attributes {stable_mosaic.version = 14 : i64} {
  func.func @k(%arg0: i32, %arg1: i32, %arg2: memref<50x32x128xi32, #tpu.memory_space<hbm>>, %arg3: memref<100000x128xf32, #tpu.memory_space<hbm>>, %arg4: memref<50x4096x128xf32, #tpu.memory_space<hbm>>, %arg5: memref<50x128xi32, #tpu.memory_space<vmem>>, %arg6: memref<10x64x128xf32, #tpu.memory_space<vmem>>, %arg7: memref<10x!tpu.dma_semaphore, #tpu.memory_space<semaphore_mem>>, %arg8: memref<10x!tpu.dma_semaphore, #tpu.memory_space<semaphore_mem>>) attributes {dimension_semantics = [#tpu.dimension_semantics<core_parallel>, #tpu.dimension_semantics<subcore_parallel>], iteration_bounds = array<i64: 2, 16>, scalar_prefetch = 0 : i64, scratch_operands = 4 : i64, tpu.core_type = #tpu.core_type<sc_vector_subcore>, window_params = [{transform_indices = #map}, {transform_indices = #map1}, {transform_indices = #map}]} {
    %mul3A = arith.constant 2 : i32
    %mul3A_0 = arith.muli %arg1, %mul3A : i32
    %add3A = arith.addi %mul3A_0, %arg0 : i32
    %mul3A_1 = arith.constant 128 : i32
    %mul3A_2 = arith.muli %add3A, %mul3A_1 : i32
    "tpu.region"() ({
      %run_scoped3A = tpu.sem_alloc : memref<!tpu.dma_semaphore, #tpu.memory_space<semaphore_mem>>
      %dma_start3A_352 = arith.constant 0 : i32
      %dma_start3A_353 = arith.constant 0 : i32
      %dma_start3A_354 = tpu.memref_slice %arg2[%dma_start3A_352, %add3A, %dma_start3A_353] : memref<50x32x128xi32, #tpu.memory_space<hbm>> -> memref<50x1x128xi32, #tpu.memory_space<hbm>>
      %dma_start3A_355 = tpu.memref_squeeze %dma_start3A_354 : memref<50x1x128xi32, #tpu.memory_space<hbm>> -> memref<50x128xi32, #tpu.memory_space<hbm>>
      %dma_start3A_356 = arith.constant 0 : i32
      %dma_start3A_357 = arith.constant 0 : i32
      %dma_start3A_358 = tpu.memref_slice %arg2[%dma_start3A_356, %add3A, %dma_start3A_357] : memref<50x32x128xi32, #tpu.memory_space<hbm>> -> memref<50x1x128xi32, #tpu.memory_space<hbm>>
      %dma_start3A_359 = tpu.memref_squeeze %dma_start3A_358 : memref<50x1x128xi32, #tpu.memory_space<hbm>> -> memref<50x128xi32, #tpu.memory_space<hbm>>
      tpu.enqueue_dma source(%dma_start3A_359 : memref<50x128xi32, #tpu.memory_space<hbm>>) target(%arg5 : memref<50x128xi32, #tpu.memory_space<vmem>>) target_semaphore(%run_scoped3A : memref<!tpu.dma_semaphore, #tpu.memory_space<semaphore_mem>>)
      %dma_wait3A_360 = arith.constant 0 : i32
      %dma_wait3A_361 = arith.constant 0 : i32
      %dma_wait3A_362 = tpu.memref_slice %arg2[%dma_wait3A_360, %add3A, %dma_wait3A_361] : memref<50x32x128xi32, #tpu.memory_space<hbm>> -> memref<50x1x128xi32, #tpu.memory_space<hbm>>
      %dma_wait3A_363 = tpu.memref_squeeze %dma_wait3A_362 : memref<50x1x128xi32, #tpu.memory_space<hbm>> -> memref<50x128xi32, #tpu.memory_space<hbm>>
      %dma_wait3A_364 = arith.constant 0 : i32
      %dma_wait3A_365 = arith.constant 0 : i32
      %dma_wait3A_366 = tpu.memref_slice %arg2[%dma_wait3A_364, %add3A, %dma_wait3A_365] : memref<50x32x128xi32, #tpu.memory_space<hbm>> -> memref<50x1x128xi32, #tpu.memory_space<hbm>>
      %dma_wait3A_367 = tpu.memref_squeeze %dma_wait3A_366 : memref<50x1x128xi32, #tpu.memory_space<hbm>> -> memref<50x128xi32, #tpu.memory_space<hbm>>
      tpu.wait_dma2 semaphore(%run_scoped3A : memref<!tpu.dma_semaphore, #tpu.memory_space<semaphore_mem>>) src(%dma_wait3A_367 : memref<50x128xi32, #tpu.memory_space<hbm>>) dst(%arg5 : memref<50x128xi32, #tpu.memory_space<vmem>>)
      tpu.yield
    }) : () -> ()
    %dma_start3A = arith.constant 0 : i32
    %dma_start3A_3 = arith.constant 0 : i32
    %dma_start3A_4 = arith.constant 0 : i32
    %dma_start3A_5 = arith.constant 0 : i32
    %dma_start3A_6 = arith.constant 0 : i32
    %dma_start3A_7 = tpu.memref_slice %arg6[%dma_start3A_3, %dma_start3A_5, %dma_start3A_6] : memref<10x64x128xf32, #tpu.memory_space<vmem>> -> memref<1x64x128xf32, #tpu.memory_space<vmem>>
    %dma_start3A_8 = tpu.memref_squeeze %dma_start3A_7 : memref<1x64x128xf32, #tpu.memory_space<vmem>> -> memref<64x128xf32, #tpu.memory_space<vmem>>
    %dma_start3A_9 = arith.constant 0 : i32
    %dma_start3A_10 = tpu.memref_slice %arg5[%dma_start3A, %dma_start3A_9] : memref<50x128xi32, #tpu.memory_space<vmem>> -> memref<1x64xi32, #tpu.memory_space<vmem>>
    %dma_start3A_11 = tpu.memref_squeeze %dma_start3A_10 : memref<1x64xi32, #tpu.memory_space<vmem>> -> memref<64xi32, #tpu.memory_space<vmem>>
    %dma_start3A_12 = arith.constant 0 : i32
    %dma_start3A_13 = arith.constant 0 : i32
    %dma_start3A_14 = tpu.memref_slice %arg3[%dma_start3A_12, %dma_start3A_13] : memref<100000x128xf32, #tpu.memory_space<hbm>> -> memref<100000x128xf32, #tpu.memory_space<hbm>>
    %dma_start3A_15 = tpu.memref_slice %arg7[%dma_start3A_4] : memref<10x!tpu.dma_semaphore, #tpu.memory_space<semaphore_mem>> -> memref<1x!tpu.dma_semaphore, #tpu.memory_space<semaphore_mem>>
    %dma_start3A_16 = tpu.memref_squeeze %dma_start3A_15 : memref<1x!tpu.dma_semaphore, #tpu.memory_space<semaphore_mem>> -> memref<!tpu.dma_semaphore, #tpu.memory_space<semaphore_mem>>
    tpu.enqueue_indirect_dma source(%dma_start3A_14 : memref<100000x128xf32, #tpu.memory_space<hbm>>) target(%dma_start3A_8 : memref<64x128xf32, #tpu.memory_space<vmem>>) offsets(%dma_start3A_11 : memref<64xi32, #tpu.memory_space<vmem>>) semaphore(%dma_start3A_16 : memref<!tpu.dma_semaphore, #tpu.memory_space<semaphore_mem>>)
    %dma_start3A_17 = arith.constant 0 : i32
    %dma_start3A_18 = arith.constant 1 : i32
    %dma_start3A_19 = arith.constant 1 : i32
    %dma_start3A_20 = arith.constant 0 : i32
    %dma_start3A_21 = arith.constant 0 : i32
    %dma_start3A_22 = tpu.memref_slice %arg6[%dma_start3A_18, %dma_start3A_20, %dma_start3A_21] : memref<10x64x128xf32, #tpu.memory_space<vmem>> -> memref<1x64x128xf32, #tpu.memory_space<vmem>>
    %dma_start3A_23 = tpu.memref_squeeze %dma_start3A_22 : memref<1x64x128xf32, #tpu.memory_space<vmem>> -> memref<64x128xf32, #tpu.memory_space<vmem>>
    %dma_start3A_24 = arith.constant 64 : i32
    %dma_start3A_25 = tpu.memref_slice %arg5[%dma_start3A_17, %dma_start3A_24] : memref<50x128xi32, #tpu.memory_space<vmem>> -> memref<1x64xi32, #tpu.memory_space<vmem>>
    %dma_start3A_26 = tpu.memref_squeeze %dma_start3A_25 : memref<1x64xi32, #tpu.memory_space<vmem>> -> memref<64xi32, #tpu.memory_space<vmem>>
    %dma_start3A_27 = arith.constant 0 : i32
    %dma_start3A_28 = arith.constant 0 : i32
    %dma_start3A_29 = tpu.memref_slice %arg3[%dma_start3A_27, %dma_start3A_28] : memref<100000x128xf32, #tpu.memory_space<hbm>> -> memref<100000x128xf32, #tpu.memory_space<hbm>>
    %dma_start3A_30 = tpu.memref_slice %arg7[%dma_start3A_19] : memref<10x!tpu.dma_semaphore, #tpu.memory_space<semaphore_mem>> -> memref<1x!tpu.dma_semaphore, #tpu.memory_space<semaphore_mem>>
    %dma_start3A_31 = tpu.memref_squeeze %dma_start3A_30 : memref<1x!tpu.dma_semaphore, #tpu.memory_space<semaphore_mem>> -> memref<!tpu.dma_semaphore, #tpu.memory_space<semaphore_mem>>
    tpu.enqueue_indirect_dma source(%dma_start3A_29 : memref<100000x128xf32, #tpu.memory_space<hbm>>) target(%dma_start3A_23 : memref<64x128xf32, #tpu.memory_space<vmem>>) offsets(%dma_start3A_26 : memref<64xi32, #tpu.memory_space<vmem>>) semaphore(%dma_start3A_31 : memref<!tpu.dma_semaphore, #tpu.memory_space<semaphore_mem>>)
    %dma_start3A_32 = arith.constant 1 : i32
    %dma_start3A_33 = arith.constant 2 : i32
    %dma_start3A_34 = arith.constant 2 : i32
    %dma_start3A_35 = arith.constant 0 : i32
    %dma_start3A_36 = arith.constant 0 : i32
    %dma_start3A_37 = tpu.memref_slice %arg6[%dma_start3A_33, %dma_start3A_35, %dma_start3A_36] : memref<10x64x128xf32, #tpu.memory_space<vmem>> -> memref<1x64x128xf32, #tpu.memory_space<vmem>>
    %dma_start3A_38 = tpu.memref_squeeze %dma_start3A_37 : memref<1x64x128xf32, #tpu.memory_space<vmem>> -> memref<64x128xf32, #tpu.memory_space<vmem>>
    %dma_start3A_39 = arith.constant 0 : i32
    %dma_start3A_40 = tpu.memref_slice %arg5[%dma_start3A_32, %dma_start3A_39] : memref<50x128xi32, #tpu.memory_space<vmem>> -> memref<1x64xi32, #tpu.memory_space<vmem>>
    %dma_start3A_41 = tpu.memref_squeeze %dma_start3A_40 : memref<1x64xi32, #tpu.memory_space<vmem>> -> memref<64xi32, #tpu.memory_space<vmem>>
    %dma_start3A_42 = arith.constant 0 : i32
    %dma_start3A_43 = arith.constant 0 : i32
    %dma_start3A_44 = tpu.memref_slice %arg3[%dma_start3A_42, %dma_start3A_43] : memref<100000x128xf32, #tpu.memory_space<hbm>> -> memref<100000x128xf32, #tpu.memory_space<hbm>>
    %dma_start3A_45 = tpu.memref_slice %arg7[%dma_start3A_34] : memref<10x!tpu.dma_semaphore, #tpu.memory_space<semaphore_mem>> -> memref<1x!tpu.dma_semaphore, #tpu.memory_space<semaphore_mem>>
    %dma_start3A_46 = tpu.memref_squeeze %dma_start3A_45 : memref<1x!tpu.dma_semaphore, #tpu.memory_space<semaphore_mem>> -> memref<!tpu.dma_semaphore, #tpu.memory_space<semaphore_mem>>
    tpu.enqueue_indirect_dma source(%dma_start3A_44 : memref<100000x128xf32, #tpu.memory_space<hbm>>) target(%dma_start3A_38 : memref<64x128xf32, #tpu.memory_space<vmem>>) offsets(%dma_start3A_41 : memref<64xi32, #tpu.memory_space<vmem>>) semaphore(%dma_start3A_46 : memref<!tpu.dma_semaphore, #tpu.memory_space<semaphore_mem>>)
    %dma_start3A_47 = arith.constant 1 : i32
    %dma_start3A_48 = arith.constant 3 : i32
    %dma_start3A_49 = arith.constant 3 : i32
    %dma_start3A_50 = arith.constant 0 : i32
    %dma_start3A_51 = arith.constant 0 : i32
    %dma_start3A_52 = tpu.memref_slice %arg6[%dma_start3A_48, %dma_start3A_50, %dma_start3A_51] : memref<10x64x128xf32, #tpu.memory_space<vmem>> -> memref<1x64x128xf32, #tpu.memory_space<vmem>>
    %dma_start3A_53 = tpu.memref_squeeze %dma_start3A_52 : memref<1x64x128xf32, #tpu.memory_space<vmem>> -> memref<64x128xf32, #tpu.memory_space<vmem>>
    %dma_start3A_54 = arith.constant 64 : i32
    %dma_start3A_55 = tpu.memref_slice %arg5[%dma_start3A_47, %dma_start3A_54] : memref<50x128xi32, #tpu.memory_space<vmem>> -> memref<1x64xi32, #tpu.memory_space<vmem>>
    %dma_start3A_56 = tpu.memref_squeeze %dma_start3A_55 : memref<1x64xi32, #tpu.memory_space<vmem>> -> memref<64xi32, #tpu.memory_space<vmem>>
    %dma_start3A_57 = arith.constant 0 : i32
    %dma_start3A_58 = arith.constant 0 : i32
    %dma_start3A_59 = tpu.memref_slice %arg3[%dma_start3A_57, %dma_start3A_58] : memref<100000x128xf32, #tpu.memory_space<hbm>> -> memref<100000x128xf32, #tpu.memory_space<hbm>>
    %dma_start3A_60 = tpu.memref_slice %arg7[%dma_start3A_49] : memref<10x!tpu.dma_semaphore, #tpu.memory_space<semaphore_mem>> -> memref<1x!tpu.dma_semaphore, #tpu.memory_space<semaphore_mem>>
    %dma_start3A_61 = tpu.memref_squeeze %dma_start3A_60 : memref<1x!tpu.dma_semaphore, #tpu.memory_space<semaphore_mem>> -> memref<!tpu.dma_semaphore, #tpu.memory_space<semaphore_mem>>
    tpu.enqueue_indirect_dma source(%dma_start3A_59 : memref<100000x128xf32, #tpu.memory_space<hbm>>) target(%dma_start3A_53 : memref<64x128xf32, #tpu.memory_space<vmem>>) offsets(%dma_start3A_56 : memref<64xi32, #tpu.memory_space<vmem>>) semaphore(%dma_start3A_61 : memref<!tpu.dma_semaphore, #tpu.memory_space<semaphore_mem>>)
    %dma_start3A_62 = arith.constant 2 : i32
    %dma_start3A_63 = arith.constant 4 : i32
    %dma_start3A_64 = arith.constant 4 : i32
    %dma_start3A_65 = arith.constant 0 : i32
    %dma_start3A_66 = arith.constant 0 : i32
    %dma_start3A_67 = tpu.memref_slice %arg6[%dma_start3A_63, %dma_start3A_65, %dma_start3A_66] : memref<10x64x128xf32, #tpu.memory_space<vmem>> -> memref<1x64x128xf32, #tpu.memory_space<vmem>>
    %dma_start3A_68 = tpu.memref_squeeze %dma_start3A_67 : memref<1x64x128xf32, #tpu.memory_space<vmem>> -> memref<64x128xf32, #tpu.memory_space<vmem>>
    %dma_start3A_69 = arith.constant 0 : i32
    %dma_start3A_70 = tpu.memref_slice %arg5[%dma_start3A_62, %dma_start3A_69] : memref<50x128xi32, #tpu.memory_space<vmem>> -> memref<1x64xi32, #tpu.memory_space<vmem>>
    %dma_start3A_71 = tpu.memref_squeeze %dma_start3A_70 : memref<1x64xi32, #tpu.memory_space<vmem>> -> memref<64xi32, #tpu.memory_space<vmem>>
    %dma_start3A_72 = arith.constant 0 : i32
    %dma_start3A_73 = arith.constant 0 : i32
    %dma_start3A_74 = tpu.memref_slice %arg3[%dma_start3A_72, %dma_start3A_73] : memref<100000x128xf32, #tpu.memory_space<hbm>> -> memref<100000x128xf32, #tpu.memory_space<hbm>>
    %dma_start3A_75 = tpu.memref_slice %arg7[%dma_start3A_64] : memref<10x!tpu.dma_semaphore, #tpu.memory_space<semaphore_mem>> -> memref<1x!tpu.dma_semaphore, #tpu.memory_space<semaphore_mem>>
    %dma_start3A_76 = tpu.memref_squeeze %dma_start3A_75 : memref<1x!tpu.dma_semaphore, #tpu.memory_space<semaphore_mem>> -> memref<!tpu.dma_semaphore, #tpu.memory_space<semaphore_mem>>
    tpu.enqueue_indirect_dma source(%dma_start3A_74 : memref<100000x128xf32, #tpu.memory_space<hbm>>) target(%dma_start3A_68 : memref<64x128xf32, #tpu.memory_space<vmem>>) offsets(%dma_start3A_71 : memref<64xi32, #tpu.memory_space<vmem>>) semaphore(%dma_start3A_76 : memref<!tpu.dma_semaphore, #tpu.memory_space<semaphore_mem>>)
    %dma_start3A_77 = arith.constant 2 : i32
    %dma_start3A_78 = arith.constant 5 : i32
    %dma_start3A_79 = arith.constant 5 : i32
    %dma_start3A_80 = arith.constant 0 : i32
    %dma_start3A_81 = arith.constant 0 : i32
    %dma_start3A_82 = tpu.memref_slice %arg6[%dma_start3A_78, %dma_start3A_80, %dma_start3A_81] : memref<10x64x128xf32, #tpu.memory_space<vmem>> -> memref<1x64x128xf32, #tpu.memory_space<vmem>>
    %dma_start3A_83 = tpu.memref_squeeze %dma_start3A_82 : memref<1x64x128xf32, #tpu.memory_space<vmem>> -> memref<64x128xf32, #tpu.memory_space<vmem>>
    %dma_start3A_84 = arith.constant 64 : i32
    %dma_start3A_85 = tpu.memref_slice %arg5[%dma_start3A_77, %dma_start3A_84] : memref<50x128xi32, #tpu.memory_space<vmem>> -> memref<1x64xi32, #tpu.memory_space<vmem>>
    %dma_start3A_86 = tpu.memref_squeeze %dma_start3A_85 : memref<1x64xi32, #tpu.memory_space<vmem>> -> memref<64xi32, #tpu.memory_space<vmem>>
    %dma_start3A_87 = arith.constant 0 : i32
    %dma_start3A_88 = arith.constant 0 : i32
    %dma_start3A_89 = tpu.memref_slice %arg3[%dma_start3A_87, %dma_start3A_88] : memref<100000x128xf32, #tpu.memory_space<hbm>> -> memref<100000x128xf32, #tpu.memory_space<hbm>>
    %dma_start3A_90 = tpu.memref_slice %arg7[%dma_start3A_79] : memref<10x!tpu.dma_semaphore, #tpu.memory_space<semaphore_mem>> -> memref<1x!tpu.dma_semaphore, #tpu.memory_space<semaphore_mem>>
    %dma_start3A_91 = tpu.memref_squeeze %dma_start3A_90 : memref<1x!tpu.dma_semaphore, #tpu.memory_space<semaphore_mem>> -> memref<!tpu.dma_semaphore, #tpu.memory_space<semaphore_mem>>
    tpu.enqueue_indirect_dma source(%dma_start3A_89 : memref<100000x128xf32, #tpu.memory_space<hbm>>) target(%dma_start3A_83 : memref<64x128xf32, #tpu.memory_space<vmem>>) offsets(%dma_start3A_86 : memref<64xi32, #tpu.memory_space<vmem>>) semaphore(%dma_start3A_91 : memref<!tpu.dma_semaphore, #tpu.memory_space<semaphore_mem>>)
    %dma_start3A_92 = arith.constant 3 : i32
    %dma_start3A_93 = arith.constant 6 : i32
    %dma_start3A_94 = arith.constant 6 : i32
    %dma_start3A_95 = arith.constant 0 : i32
    %dma_start3A_96 = arith.constant 0 : i32
    %dma_start3A_97 = tpu.memref_slice %arg6[%dma_start3A_93, %dma_start3A_95, %dma_start3A_96] : memref<10x64x128xf32, #tpu.memory_space<vmem>> -> memref<1x64x128xf32, #tpu.memory_space<vmem>>
    %dma_start3A_98 = tpu.memref_squeeze %dma_start3A_97 : memref<1x64x128xf32, #tpu.memory_space<vmem>> -> memref<64x128xf32, #tpu.memory_space<vmem>>
    %dma_start3A_99 = arith.constant 0 : i32
    %dma_start3A_100 = tpu.memref_slice %arg5[%dma_start3A_92, %dma_start3A_99] : memref<50x128xi32, #tpu.memory_space<vmem>> -> memref<1x64xi32, #tpu.memory_space<vmem>>
    %dma_start3A_101 = tpu.memref_squeeze %dma_start3A_100 : memref<1x64xi32, #tpu.memory_space<vmem>> -> memref<64xi32, #tpu.memory_space<vmem>>
    %dma_start3A_102 = arith.constant 0 : i32
    %dma_start3A_103 = arith.constant 0 : i32
    %dma_start3A_104 = tpu.memref_slice %arg3[%dma_start3A_102, %dma_start3A_103] : memref<100000x128xf32, #tpu.memory_space<hbm>> -> memref<100000x128xf32, #tpu.memory_space<hbm>>
    %dma_start3A_105 = tpu.memref_slice %arg7[%dma_start3A_94] : memref<10x!tpu.dma_semaphore, #tpu.memory_space<semaphore_mem>> -> memref<1x!tpu.dma_semaphore, #tpu.memory_space<semaphore_mem>>
    %dma_start3A_106 = tpu.memref_squeeze %dma_start3A_105 : memref<1x!tpu.dma_semaphore, #tpu.memory_space<semaphore_mem>> -> memref<!tpu.dma_semaphore, #tpu.memory_space<semaphore_mem>>
    tpu.enqueue_indirect_dma source(%dma_start3A_104 : memref<100000x128xf32, #tpu.memory_space<hbm>>) target(%dma_start3A_98 : memref<64x128xf32, #tpu.memory_space<vmem>>) offsets(%dma_start3A_101 : memref<64xi32, #tpu.memory_space<vmem>>) semaphore(%dma_start3A_106 : memref<!tpu.dma_semaphore, #tpu.memory_space<semaphore_mem>>)
    %dma_start3A_107 = arith.constant 3 : i32
    %dma_start3A_108 = arith.constant 7 : i32
    %dma_start3A_109 = arith.constant 7 : i32
    %dma_start3A_110 = arith.constant 0 : i32
    %dma_start3A_111 = arith.constant 0 : i32
    %dma_start3A_112 = tpu.memref_slice %arg6[%dma_start3A_108, %dma_start3A_110, %dma_start3A_111] : memref<10x64x128xf32, #tpu.memory_space<vmem>> -> memref<1x64x128xf32, #tpu.memory_space<vmem>>
    %dma_start3A_113 = tpu.memref_squeeze %dma_start3A_112 : memref<1x64x128xf32, #tpu.memory_space<vmem>> -> memref<64x128xf32, #tpu.memory_space<vmem>>
    %dma_start3A_114 = arith.constant 64 : i32
    %dma_start3A_115 = tpu.memref_slice %arg5[%dma_start3A_107, %dma_start3A_114] : memref<50x128xi32, #tpu.memory_space<vmem>> -> memref<1x64xi32, #tpu.memory_space<vmem>>
    %dma_start3A_116 = tpu.memref_squeeze %dma_start3A_115 : memref<1x64xi32, #tpu.memory_space<vmem>> -> memref<64xi32, #tpu.memory_space<vmem>>
    %dma_start3A_117 = arith.constant 0 : i32
    %dma_start3A_118 = arith.constant 0 : i32
    %dma_start3A_119 = tpu.memref_slice %arg3[%dma_start3A_117, %dma_start3A_118] : memref<100000x128xf32, #tpu.memory_space<hbm>> -> memref<100000x128xf32, #tpu.memory_space<hbm>>
    %dma_start3A_120 = tpu.memref_slice %arg7[%dma_start3A_109] : memref<10x!tpu.dma_semaphore, #tpu.memory_space<semaphore_mem>> -> memref<1x!tpu.dma_semaphore, #tpu.memory_space<semaphore_mem>>
    %dma_start3A_121 = tpu.memref_squeeze %dma_start3A_120 : memref<1x!tpu.dma_semaphore, #tpu.memory_space<semaphore_mem>> -> memref<!tpu.dma_semaphore, #tpu.memory_space<semaphore_mem>>
    tpu.enqueue_indirect_dma source(%dma_start3A_119 : memref<100000x128xf32, #tpu.memory_space<hbm>>) target(%dma_start3A_113 : memref<64x128xf32, #tpu.memory_space<vmem>>) offsets(%dma_start3A_116 : memref<64xi32, #tpu.memory_space<vmem>>) semaphore(%dma_start3A_121 : memref<!tpu.dma_semaphore, #tpu.memory_space<semaphore_mem>>)
    %dma_start3A_122 = arith.constant 4 : i32
    %dma_start3A_123 = arith.constant 8 : i32
    %dma_start3A_124 = arith.constant 8 : i32
    %dma_start3A_125 = arith.constant 0 : i32
    %dma_start3A_126 = arith.constant 0 : i32
    %dma_start3A_127 = tpu.memref_slice %arg6[%dma_start3A_123, %dma_start3A_125, %dma_start3A_126] : memref<10x64x128xf32, #tpu.memory_space<vmem>> -> memref<1x64x128xf32, #tpu.memory_space<vmem>>
    %dma_start3A_128 = tpu.memref_squeeze %dma_start3A_127 : memref<1x64x128xf32, #tpu.memory_space<vmem>> -> memref<64x128xf32, #tpu.memory_space<vmem>>
    %dma_start3A_129 = arith.constant 0 : i32
    %dma_start3A_130 = tpu.memref_slice %arg5[%dma_start3A_122, %dma_start3A_129] : memref<50x128xi32, #tpu.memory_space<vmem>> -> memref<1x64xi32, #tpu.memory_space<vmem>>
    %dma_start3A_131 = tpu.memref_squeeze %dma_start3A_130 : memref<1x64xi32, #tpu.memory_space<vmem>> -> memref<64xi32, #tpu.memory_space<vmem>>
    %dma_start3A_132 = arith.constant 0 : i32
    %dma_start3A_133 = arith.constant 0 : i32
    %dma_start3A_134 = tpu.memref_slice %arg3[%dma_start3A_132, %dma_start3A_133] : memref<100000x128xf32, #tpu.memory_space<hbm>> -> memref<100000x128xf32, #tpu.memory_space<hbm>>
    %dma_start3A_135 = tpu.memref_slice %arg7[%dma_start3A_124] : memref<10x!tpu.dma_semaphore, #tpu.memory_space<semaphore_mem>> -> memref<1x!tpu.dma_semaphore, #tpu.memory_space<semaphore_mem>>
    %dma_start3A_136 = tpu.memref_squeeze %dma_start3A_135 : memref<1x!tpu.dma_semaphore, #tpu.memory_space<semaphore_mem>> -> memref<!tpu.dma_semaphore, #tpu.memory_space<semaphore_mem>>
    tpu.enqueue_indirect_dma source(%dma_start3A_134 : memref<100000x128xf32, #tpu.memory_space<hbm>>) target(%dma_start3A_128 : memref<64x128xf32, #tpu.memory_space<vmem>>) offsets(%dma_start3A_131 : memref<64xi32, #tpu.memory_space<vmem>>) semaphore(%dma_start3A_136 : memref<!tpu.dma_semaphore, #tpu.memory_space<semaphore_mem>>)
    %scan3A = arith.constant 0 : i32
    %scan3A_137 = arith.constant 0 : i32
    %scan3A_138 = arith.constant 100 : i32
    %scan3A_139 = arith.addi %scan3A_137, %scan3A_138 : i32
    %scan3A_140 = arith.constant 1 : i32
    %scan3A_141 = scf.for %scan3A_352 = %scan3A_137 to %scan3A_139 step %scan3A_140 iter_args(%scan3A_353 = %scan3A) -> (i32)  : i32 {
      %rem3A = arith.constant 10 : i32
      %rem3A_354 = arith.remsi %scan3A_352, %rem3A : i32
      %jit3A = arith.constant 2 : i32
      %div3A = arith.divsi %scan3A_352, %jit3A : i32
      %sign3A = arith.constant 0 : i32
      %sign3A_355 = arith.cmpi sgt, %scan3A_352, %sign3A : i32
      %sign3A_356 = arith.extui %sign3A_355 : i1 to i32
      %sign3A_357 = arith.constant 0 : i32
      %sign3A_358 = arith.cmpi slt, %scan3A_352, %sign3A_357 : i32
      %sign3A_359 = arith.extui %sign3A_358 : i1 to i32
      %sign3A_360 = arith.subi %sign3A_356, %sign3A_359 : i32
      %sign3A_361 = arith.constant 0 : i32
      %sign3A_362 = arith.cmpi sgt, %jit3A, %sign3A_361 : i32
      %sign3A_363 = arith.extui %sign3A_362 : i1 to i32
      %sign3A_364 = arith.constant 0 : i32
      %sign3A_365 = arith.cmpi slt, %jit3A, %sign3A_364 : i32
      %sign3A_366 = arith.extui %sign3A_365 : i1 to i32
      %sign3A_367 = arith.subi %sign3A_363, %sign3A_366 : i32
      %ne3A = arith.cmpi ne, %sign3A_360, %sign3A_367 : i32
      %rem3A_368 = arith.remsi %scan3A_352, %jit3A : i32
      %ne3A_369 = arith.constant 0 : i32
      %ne3A_370 = arith.cmpi ne, %rem3A_368, %ne3A_369 : i32
      %and3A = arith.andi %ne3A, %ne3A_370 : i1
      %sub3A = arith.constant 1 : i32
      %sub3A_371 = arith.subi %div3A, %sub3A : i32
      %select_n3A = arith.select %and3A, %sub3A_371, %div3A : i32
      %jit3A_372 = arith.constant 2 : i32
      %eq3A = arith.constant 0 : i32
      %eq3A_373 = arith.cmpi eq, %jit3A_372, %eq3A : i32
      %jit3A_374 = arith.constant 1 : i32
      %select_n3A_375 = arith.select %eq3A_373, %jit3A_374, %jit3A_372 : i32
      %rem3A_376 = arith.remsi %scan3A_352, %select_n3A_375 : i32
      %ne3A_377 = arith.constant 0 : i32
      %ne3A_378 = arith.cmpi ne, %rem3A_376, %ne3A_377 : i32
      %lt3A = arith.constant 0 : i32
      %lt3A_379 = arith.cmpi slt, %rem3A_376, %lt3A : i32
      %lt3A_380 = arith.constant 0 : i32
      %lt3A_381 = arith.cmpi slt, %select_n3A_375, %lt3A_380 : i32
      %ne3A_382 = arith.xori %lt3A_379, %lt3A_381 : i1
      %and3A_383 = arith.andi %ne3A_382, %ne3A_378 : i1
      %add3A_384 = arith.addi %rem3A_376, %select_n3A_375 : i32
      %select_n3A_385 = arith.select %and3A_383, %add3A_384, %rem3A_376 : i32
      %mul3A_386 = arith.constant 64 : i32
      %mul3A_387 = arith.muli %select_n3A_385, %mul3A_386 : i32
      %dma_wait3A_388 = arith.constant 0 : i32
      %dma_wait3A_389 = arith.constant 0 : i32
      %dma_wait3A_390 = tpu.memref_slice %arg6[%rem3A_354, %dma_wait3A_388, %dma_wait3A_389] : memref<10x64x128xf32, #tpu.memory_space<vmem>> -> memref<1x64x128xf32, #tpu.memory_space<vmem>>
      %dma_wait3A_391 = tpu.memref_squeeze %dma_wait3A_390 : memref<1x64x128xf32, #tpu.memory_space<vmem>> -> memref<64x128xf32, #tpu.memory_space<vmem>>
      %dma_wait3A_392 = tpu.memref_slice %arg5[%select_n3A, %mul3A_387] : memref<50x128xi32, #tpu.memory_space<vmem>> -> memref<1x64xi32, #tpu.memory_space<vmem>>
      %dma_wait3A_393 = tpu.memref_squeeze %dma_wait3A_392 : memref<1x64xi32, #tpu.memory_space<vmem>> -> memref<64xi32, #tpu.memory_space<vmem>>
      %dma_wait3A_394 = arith.constant 0 : i32
      %dma_wait3A_395 = arith.constant 0 : i32
      %dma_wait3A_396 = tpu.memref_slice %arg3[%dma_wait3A_394, %dma_wait3A_395] : memref<100000x128xf32, #tpu.memory_space<hbm>> -> memref<100000x128xf32, #tpu.memory_space<hbm>>
      %dma_wait3A_397 = tpu.memref_slice %arg7[%rem3A_354] : memref<10x!tpu.dma_semaphore, #tpu.memory_space<semaphore_mem>> -> memref<1x!tpu.dma_semaphore, #tpu.memory_space<semaphore_mem>>
      %dma_wait3A_398 = tpu.memref_squeeze %dma_wait3A_397 : memref<1x!tpu.dma_semaphore, #tpu.memory_space<semaphore_mem>> -> memref<!tpu.dma_semaphore, #tpu.memory_space<semaphore_mem>>
      tpu.wait_indirect_dma semaphore(%dma_wait3A_398 : memref<!tpu.dma_semaphore, #tpu.memory_space<semaphore_mem>>) src(%dma_wait3A_396 : memref<100000x128xf32, #tpu.memory_space<hbm>>) dst(%dma_wait3A_391 : memref<64x128xf32, #tpu.memory_space<vmem>>)
      %jit3A_399 = arith.constant 2 : i32
      %div3A_400 = arith.divsi %scan3A_352, %jit3A_399 : i32
      %sign3A_401 = arith.constant 0 : i32
      %sign3A_402 = arith.cmpi sgt, %scan3A_352, %sign3A_401 : i32
      %sign3A_403 = arith.extui %sign3A_402 : i1 to i32
      %sign3A_404 = arith.constant 0 : i32
      %sign3A_405 = arith.cmpi slt, %scan3A_352, %sign3A_404 : i32
      %sign3A_406 = arith.extui %sign3A_405 : i1 to i32
      %sign3A_407 = arith.subi %sign3A_403, %sign3A_406 : i32
      %sign3A_408 = arith.constant 0 : i32
      %sign3A_409 = arith.cmpi sgt, %jit3A_399, %sign3A_408 : i32
      %sign3A_410 = arith.extui %sign3A_409 : i1 to i32
      %sign3A_411 = arith.constant 0 : i32
      %sign3A_412 = arith.cmpi slt, %jit3A_399, %sign3A_411 : i32
      %sign3A_413 = arith.extui %sign3A_412 : i1 to i32
      %sign3A_414 = arith.subi %sign3A_410, %sign3A_413 : i32
      %ne3A_415 = arith.cmpi ne, %sign3A_407, %sign3A_414 : i32
      %rem3A_416 = arith.remsi %scan3A_352, %jit3A_399 : i32
      %ne3A_417 = arith.constant 0 : i32
      %ne3A_418 = arith.cmpi ne, %rem3A_416, %ne3A_417 : i32
      %and3A_419 = arith.andi %ne3A_415, %ne3A_418 : i1
      %sub3A_420 = arith.constant 1 : i32
      %sub3A_421 = arith.subi %div3A_400, %sub3A_420 : i32
      %select_n3A_422 = arith.select %and3A_419, %sub3A_421, %div3A_400 : i32
      %jit3A_423 = arith.constant 2 : i32
      %eq3A_424 = arith.constant 0 : i32
      %eq3A_425 = arith.cmpi eq, %jit3A_423, %eq3A_424 : i32
      %jit3A_426 = arith.constant 1 : i32
      %select_n3A_427 = arith.select %eq3A_425, %jit3A_426, %jit3A_423 : i32
      %rem3A_428 = arith.remsi %scan3A_352, %select_n3A_427 : i32
      %ne3A_429 = arith.constant 0 : i32
      %ne3A_430 = arith.cmpi ne, %rem3A_428, %ne3A_429 : i32
      %lt3A_431 = arith.constant 0 : i32
      %lt3A_432 = arith.cmpi slt, %rem3A_428, %lt3A_431 : i32
      %lt3A_433 = arith.constant 0 : i32
      %lt3A_434 = arith.cmpi slt, %select_n3A_427, %lt3A_433 : i32
      %ne3A_435 = arith.xori %lt3A_432, %lt3A_434 : i1
      %and3A_436 = arith.andi %ne3A_435, %ne3A_430 : i1
      %add3A_437 = arith.addi %rem3A_428, %select_n3A_427 : i32
      %select_n3A_438 = arith.select %and3A_436, %add3A_437, %rem3A_428 : i32
      %mul3A_439 = arith.constant 64 : i32
      %mul3A_440 = arith.muli %select_n3A_438, %mul3A_439 : i32
      %add3A_441 = arith.addi %mul3A_2, %mul3A_440 : i32
      %dma_start3A_442 = arith.constant 0 : i32
      %dma_start3A_443 = arith.constant 0 : i32
      %dma_start3A_444 = tpu.memref_slice %arg6[%rem3A_354, %dma_start3A_442, %dma_start3A_443] : memref<10x64x128xf32, #tpu.memory_space<vmem>> -> memref<1x64x128xf32, #tpu.memory_space<vmem>>
      %dma_start3A_445 = tpu.memref_squeeze %dma_start3A_444 : memref<1x64x128xf32, #tpu.memory_space<vmem>> -> memref<64x128xf32, #tpu.memory_space<vmem>>
      %dma_start3A_446 = arith.constant 0 : i32
      %dma_start3A_447 = tpu.memref_slice %arg4[%select_n3A_422, %add3A_441, %dma_start3A_446] : memref<50x4096x128xf32, #tpu.memory_space<hbm>> -> memref<1x64x128xf32, #tpu.memory_space<hbm>>
      %dma_start3A_448 = tpu.memref_squeeze %dma_start3A_447 : memref<1x64x128xf32, #tpu.memory_space<hbm>> -> memref<64x128xf32, #tpu.memory_space<hbm>>
      %dma_start3A_449 = tpu.memref_slice %arg8[%rem3A_354] : memref<10x!tpu.dma_semaphore, #tpu.memory_space<semaphore_mem>> -> memref<1x!tpu.dma_semaphore, #tpu.memory_space<semaphore_mem>>
      %dma_start3A_450 = tpu.memref_squeeze %dma_start3A_449 : memref<1x!tpu.dma_semaphore, #tpu.memory_space<semaphore_mem>> -> memref<!tpu.dma_semaphore, #tpu.memory_space<semaphore_mem>>
      %dma_start3A_451 = arith.constant 0 : i32
      %dma_start3A_452 = tpu.memref_slice %arg4[%select_n3A_422, %add3A_441, %dma_start3A_451] : memref<50x4096x128xf32, #tpu.memory_space<hbm>> -> memref<1x64x128xf32, #tpu.memory_space<hbm>>
      %dma_start3A_453 = tpu.memref_squeeze %dma_start3A_452 : memref<1x64x128xf32, #tpu.memory_space<hbm>> -> memref<64x128xf32, #tpu.memory_space<hbm>>
      %dma_start3A_454 = arith.constant 0 : i32
      %dma_start3A_455 = arith.constant 0 : i32
      %dma_start3A_456 = tpu.memref_slice %arg6[%rem3A_354, %dma_start3A_454, %dma_start3A_455] : memref<10x64x128xf32, #tpu.memory_space<vmem>> -> memref<1x64x128xf32, #tpu.memory_space<vmem>>
      %dma_start3A_457 = tpu.memref_squeeze %dma_start3A_456 : memref<1x64x128xf32, #tpu.memory_space<vmem>> -> memref<64x128xf32, #tpu.memory_space<vmem>>
      tpu.enqueue_dma source(%dma_start3A_457 : memref<64x128xf32, #tpu.memory_space<vmem>>) target(%dma_start3A_453 : memref<64x128xf32, #tpu.memory_space<hbm>>) target_semaphore(%dma_start3A_450 : memref<!tpu.dma_semaphore, #tpu.memory_space<semaphore_mem>>)
      %add3A_458 = arith.constant 9 : i32
      %add3A_459 = arith.addi %scan3A_352, %add3A_458 : i32
      %rem3A_460 = arith.constant 10 : i32
      %rem3A_461 = arith.remsi %add3A_459, %rem3A_460 : i32
      %lt3A_462 = arith.constant 100 : i32
      %lt3A_463 = arith.cmpi slt, %add3A_459, %lt3A_462 : i32
      %convert_element_type3A = arith.extui %lt3A_463 : i1 to i32
      %cond3A = arith.constant 0 : i32
      %cond3A_464 = arith.cmpi ne, %convert_element_type3A, %cond3A : i32
      scf.if %cond3A_464 {
        %ge3A = arith.constant 1 : i32
        %ge3A_466 = arith.cmpi sge, %scan3A_352, %ge3A : i32
        %convert_element_type3A_467 = arith.extui %ge3A_466 : i1 to i32
        %cond3A_468 = arith.constant 0 : i32
        %cond3A_469 = arith.cmpi ne, %convert_element_type3A_467, %cond3A_468 : i32
        scf.if %cond3A_469 {
          %sub3A_523 = arith.constant 1 : i32
          %sub3A_524 = arith.subi %scan3A_352, %sub3A_523 : i32
          %jit3A_525 = arith.constant 2 : i32
          %div3A_526 = arith.divsi %sub3A_524, %jit3A_525 : i32
          %sign3A_527 = arith.constant 0 : i32
          %sign3A_528 = arith.cmpi sgt, %sub3A_524, %sign3A_527 : i32
          %sign3A_529 = arith.extui %sign3A_528 : i1 to i32
          %sign3A_530 = arith.constant 0 : i32
          %sign3A_531 = arith.cmpi slt, %sub3A_524, %sign3A_530 : i32
          %sign3A_532 = arith.extui %sign3A_531 : i1 to i32
          %sign3A_533 = arith.subi %sign3A_529, %sign3A_532 : i32
          %sign3A_534 = arith.constant 0 : i32
          %sign3A_535 = arith.cmpi sgt, %jit3A_525, %sign3A_534 : i32
          %sign3A_536 = arith.extui %sign3A_535 : i1 to i32
          %sign3A_537 = arith.constant 0 : i32
          %sign3A_538 = arith.cmpi slt, %jit3A_525, %sign3A_537 : i32
          %sign3A_539 = arith.extui %sign3A_538 : i1 to i32
          %sign3A_540 = arith.subi %sign3A_536, %sign3A_539 : i32
          %ne3A_541 = arith.cmpi ne, %sign3A_533, %sign3A_540 : i32
          %rem3A_542 = arith.remsi %sub3A_524, %jit3A_525 : i32
          %ne3A_543 = arith.constant 0 : i32
          %ne3A_544 = arith.cmpi ne, %rem3A_542, %ne3A_543 : i32
          %and3A_545 = arith.andi %ne3A_541, %ne3A_544 : i1
          %sub3A_546 = arith.constant 1 : i32
          %sub3A_547 = arith.subi %div3A_526, %sub3A_546 : i32
          %select_n3A_548 = arith.select %and3A_545, %sub3A_547, %div3A_526 : i32
          %jit3A_549 = arith.constant 2 : i32
          %eq3A_550 = arith.constant 0 : i32
          %eq3A_551 = arith.cmpi eq, %jit3A_549, %eq3A_550 : i32
          %jit3A_552 = arith.constant 1 : i32
          %select_n3A_553 = arith.select %eq3A_551, %jit3A_552, %jit3A_549 : i32
          %rem3A_554 = arith.remsi %sub3A_524, %select_n3A_553 : i32
          %ne3A_555 = arith.constant 0 : i32
          %ne3A_556 = arith.cmpi ne, %rem3A_554, %ne3A_555 : i32
          %lt3A_557 = arith.constant 0 : i32
          %lt3A_558 = arith.cmpi slt, %rem3A_554, %lt3A_557 : i32
          %lt3A_559 = arith.constant 0 : i32
          %lt3A_560 = arith.cmpi slt, %select_n3A_553, %lt3A_559 : i32
          %ne3A_561 = arith.xori %lt3A_558, %lt3A_560 : i1
          %and3A_562 = arith.andi %ne3A_561, %ne3A_556 : i1
          %add3A_563 = arith.addi %rem3A_554, %select_n3A_553 : i32
          %select_n3A_564 = arith.select %and3A_562, %add3A_563, %rem3A_554 : i32
          %mul3A_565 = arith.constant 64 : i32
          %mul3A_566 = arith.muli %select_n3A_564, %mul3A_565 : i32
          %add3A_567 = arith.addi %mul3A_2, %mul3A_566 : i32
          %dma_wait3A_568 = arith.constant 0 : i32
          %dma_wait3A_569 = arith.constant 0 : i32
          %dma_wait3A_570 = tpu.memref_slice %arg6[%rem3A_461, %dma_wait3A_568, %dma_wait3A_569] : memref<10x64x128xf32, #tpu.memory_space<vmem>> -> memref<1x64x128xf32, #tpu.memory_space<vmem>>
          %dma_wait3A_571 = tpu.memref_squeeze %dma_wait3A_570 : memref<1x64x128xf32, #tpu.memory_space<vmem>> -> memref<64x128xf32, #tpu.memory_space<vmem>>
          %dma_wait3A_572 = arith.constant 0 : i32
          %dma_wait3A_573 = tpu.memref_slice %arg4[%select_n3A_548, %add3A_567, %dma_wait3A_572] : memref<50x4096x128xf32, #tpu.memory_space<hbm>> -> memref<1x64x128xf32, #tpu.memory_space<hbm>>
          %dma_wait3A_574 = tpu.memref_squeeze %dma_wait3A_573 : memref<1x64x128xf32, #tpu.memory_space<hbm>> -> memref<64x128xf32, #tpu.memory_space<hbm>>
          %dma_wait3A_575 = tpu.memref_slice %arg8[%rem3A_461] : memref<10x!tpu.dma_semaphore, #tpu.memory_space<semaphore_mem>> -> memref<1x!tpu.dma_semaphore, #tpu.memory_space<semaphore_mem>>
          %dma_wait3A_576 = tpu.memref_squeeze %dma_wait3A_575 : memref<1x!tpu.dma_semaphore, #tpu.memory_space<semaphore_mem>> -> memref<!tpu.dma_semaphore, #tpu.memory_space<semaphore_mem>>
          %dma_wait3A_577 = arith.constant 0 : i32
          %dma_wait3A_578 = tpu.memref_slice %arg4[%select_n3A_548, %add3A_567, %dma_wait3A_577] : memref<50x4096x128xf32, #tpu.memory_space<hbm>> -> memref<1x64x128xf32, #tpu.memory_space<hbm>>
          %dma_wait3A_579 = tpu.memref_squeeze %dma_wait3A_578 : memref<1x64x128xf32, #tpu.memory_space<hbm>> -> memref<64x128xf32, #tpu.memory_space<hbm>>
          %dma_wait3A_580 = arith.constant 0 : i32
          %dma_wait3A_581 = arith.constant 0 : i32
          %dma_wait3A_582 = tpu.memref_slice %arg6[%rem3A_461, %dma_wait3A_580, %dma_wait3A_581] : memref<10x64x128xf32, #tpu.memory_space<vmem>> -> memref<1x64x128xf32, #tpu.memory_space<vmem>>
          %dma_wait3A_583 = tpu.memref_squeeze %dma_wait3A_582 : memref<1x64x128xf32, #tpu.memory_space<vmem>> -> memref<64x128xf32, #tpu.memory_space<vmem>>
          tpu.wait_dma2 semaphore(%dma_wait3A_576 : memref<!tpu.dma_semaphore, #tpu.memory_space<semaphore_mem>>) src(%dma_wait3A_583 : memref<64x128xf32, #tpu.memory_space<vmem>>) dst(%dma_wait3A_579 : memref<64x128xf32, #tpu.memory_space<hbm>>)
        } else {
        }
        %jit3A_470 = arith.constant 2 : i32
        %div3A_471 = arith.divsi %add3A_459, %jit3A_470 : i32
        %sign3A_472 = arith.constant 0 : i32
        %sign3A_473 = arith.cmpi sgt, %add3A_459, %sign3A_472 : i32
        %sign3A_474 = arith.extui %sign3A_473 : i1 to i32
        %sign3A_475 = arith.constant 0 : i32
        %sign3A_476 = arith.cmpi slt, %add3A_459, %sign3A_475 : i32
        %sign3A_477 = arith.extui %sign3A_476 : i1 to i32
        %sign3A_478 = arith.subi %sign3A_474, %sign3A_477 : i32
        %sign3A_479 = arith.constant 0 : i32
        %sign3A_480 = arith.cmpi sgt, %jit3A_470, %sign3A_479 : i32
        %sign3A_481 = arith.extui %sign3A_480 : i1 to i32
        %sign3A_482 = arith.constant 0 : i32
        %sign3A_483 = arith.cmpi slt, %jit3A_470, %sign3A_482 : i32
        %sign3A_484 = arith.extui %sign3A_483 : i1 to i32
        %sign3A_485 = arith.subi %sign3A_481, %sign3A_484 : i32
        %ne3A_486 = arith.cmpi ne, %sign3A_478, %sign3A_485 : i32
        %rem3A_487 = arith.remsi %add3A_459, %jit3A_470 : i32
        %ne3A_488 = arith.constant 0 : i32
        %ne3A_489 = arith.cmpi ne, %rem3A_487, %ne3A_488 : i32
        %and3A_490 = arith.andi %ne3A_486, %ne3A_489 : i1
        %sub3A_491 = arith.constant 1 : i32
        %sub3A_492 = arith.subi %div3A_471, %sub3A_491 : i32
        %select_n3A_493 = arith.select %and3A_490, %sub3A_492, %div3A_471 : i32
        %jit3A_494 = arith.constant 2 : i32
        %eq3A_495 = arith.constant 0 : i32
        %eq3A_496 = arith.cmpi eq, %jit3A_494, %eq3A_495 : i32
        %jit3A_497 = arith.constant 1 : i32
        %select_n3A_498 = arith.select %eq3A_496, %jit3A_497, %jit3A_494 : i32
        %rem3A_499 = arith.remsi %add3A_459, %select_n3A_498 : i32
        %ne3A_500 = arith.constant 0 : i32
        %ne3A_501 = arith.cmpi ne, %rem3A_499, %ne3A_500 : i32
        %lt3A_502 = arith.constant 0 : i32
        %lt3A_503 = arith.cmpi slt, %rem3A_499, %lt3A_502 : i32
        %lt3A_504 = arith.constant 0 : i32
        %lt3A_505 = arith.cmpi slt, %select_n3A_498, %lt3A_504 : i32
        %ne3A_506 = arith.xori %lt3A_503, %lt3A_505 : i1
        %and3A_507 = arith.andi %ne3A_506, %ne3A_501 : i1
        %add3A_508 = arith.addi %rem3A_499, %select_n3A_498 : i32
        %select_n3A_509 = arith.select %and3A_507, %add3A_508, %rem3A_499 : i32
        %mul3A_510 = arith.constant 64 : i32
        %mul3A_511 = arith.muli %select_n3A_509, %mul3A_510 : i32
        %dma_start3A_512 = arith.constant 0 : i32
        %dma_start3A_513 = arith.constant 0 : i32
        %dma_start3A_514 = tpu.memref_slice %arg6[%rem3A_461, %dma_start3A_512, %dma_start3A_513] : memref<10x64x128xf32, #tpu.memory_space<vmem>> -> memref<1x64x128xf32, #tpu.memory_space<vmem>>
        %dma_start3A_515 = tpu.memref_squeeze %dma_start3A_514 : memref<1x64x128xf32, #tpu.memory_space<vmem>> -> memref<64x128xf32, #tpu.memory_space<vmem>>
        %dma_start3A_516 = tpu.memref_slice %arg5[%select_n3A_493, %mul3A_511] : memref<50x128xi32, #tpu.memory_space<vmem>> -> memref<1x64xi32, #tpu.memory_space<vmem>>
        %dma_start3A_517 = tpu.memref_squeeze %dma_start3A_516 : memref<1x64xi32, #tpu.memory_space<vmem>> -> memref<64xi32, #tpu.memory_space<vmem>>
        %dma_start3A_518 = arith.constant 0 : i32
        %dma_start3A_519 = arith.constant 0 : i32
        %dma_start3A_520 = tpu.memref_slice %arg3[%dma_start3A_518, %dma_start3A_519] : memref<100000x128xf32, #tpu.memory_space<hbm>> -> memref<100000x128xf32, #tpu.memory_space<hbm>>
        %dma_start3A_521 = tpu.memref_slice %arg7[%rem3A_461] : memref<10x!tpu.dma_semaphore, #tpu.memory_space<semaphore_mem>> -> memref<1x!tpu.dma_semaphore, #tpu.memory_space<semaphore_mem>>
        %dma_start3A_522 = tpu.memref_squeeze %dma_start3A_521 : memref<1x!tpu.dma_semaphore, #tpu.memory_space<semaphore_mem>> -> memref<!tpu.dma_semaphore, #tpu.memory_space<semaphore_mem>>
        tpu.enqueue_indirect_dma source(%dma_start3A_520 : memref<100000x128xf32, #tpu.memory_space<hbm>>) target(%dma_start3A_515 : memref<64x128xf32, #tpu.memory_space<vmem>>) offsets(%dma_start3A_517 : memref<64xi32, #tpu.memory_space<vmem>>) semaphore(%dma_start3A_522 : memref<!tpu.dma_semaphore, #tpu.memory_space<semaphore_mem>>)
      } else {
      }
      %scan3A_465 = arith.constant 0 : i32
      scf.yield %scan3A_465 : i32
    }
    %scan3A_142 = arith.constant 100 : i32
    %add3A_143 = arith.constant 0 : i32
    %add3A_144 = arith.addi %mul3A_2, %add3A_143 : i32
    %dma_wait3A = arith.constant 0 : i32
    %dma_wait3A_145 = arith.constant 45 : i32
    %dma_wait3A_146 = arith.constant 0 : i32
    %dma_wait3A_147 = arith.constant 0 : i32
    %dma_wait3A_148 = arith.constant 0 : i32
    %dma_wait3A_149 = tpu.memref_slice %arg6[%dma_wait3A, %dma_wait3A_147, %dma_wait3A_148] : memref<10x64x128xf32, #tpu.memory_space<vmem>> -> memref<1x64x128xf32, #tpu.memory_space<vmem>>
    %dma_wait3A_150 = tpu.memref_squeeze %dma_wait3A_149 : memref<1x64x128xf32, #tpu.memory_space<vmem>> -> memref<64x128xf32, #tpu.memory_space<vmem>>
    %dma_wait3A_151 = arith.constant 0 : i32
    %dma_wait3A_152 = tpu.memref_slice %arg4[%dma_wait3A_145, %add3A_144, %dma_wait3A_151] : memref<50x4096x128xf32, #tpu.memory_space<hbm>> -> memref<1x64x128xf32, #tpu.memory_space<hbm>>
    %dma_wait3A_153 = tpu.memref_squeeze %dma_wait3A_152 : memref<1x64x128xf32, #tpu.memory_space<hbm>> -> memref<64x128xf32, #tpu.memory_space<hbm>>
    %dma_wait3A_154 = tpu.memref_slice %arg8[%dma_wait3A_146] : memref<10x!tpu.dma_semaphore, #tpu.memory_space<semaphore_mem>> -> memref<1x!tpu.dma_semaphore, #tpu.memory_space<semaphore_mem>>
    %dma_wait3A_155 = tpu.memref_squeeze %dma_wait3A_154 : memref<1x!tpu.dma_semaphore, #tpu.memory_space<semaphore_mem>> -> memref<!tpu.dma_semaphore, #tpu.memory_space<semaphore_mem>>
    %dma_wait3A_156 = arith.constant 0 : i32
    %dma_wait3A_157 = tpu.memref_slice %arg4[%dma_wait3A_145, %add3A_144, %dma_wait3A_156] : memref<50x4096x128xf32, #tpu.memory_space<hbm>> -> memref<1x64x128xf32, #tpu.memory_space<hbm>>
    %dma_wait3A_158 = tpu.memref_squeeze %dma_wait3A_157 : memref<1x64x128xf32, #tpu.memory_space<hbm>> -> memref<64x128xf32, #tpu.memory_space<hbm>>
    %dma_wait3A_159 = arith.constant 0 : i32
    %dma_wait3A_160 = arith.constant 0 : i32
    %dma_wait3A_161 = tpu.memref_slice %arg6[%dma_wait3A, %dma_wait3A_159, %dma_wait3A_160] : memref<10x64x128xf32, #tpu.memory_space<vmem>> -> memref<1x64x128xf32, #tpu.memory_space<vmem>>
    %dma_wait3A_162 = tpu.memref_squeeze %dma_wait3A_161 : memref<1x64x128xf32, #tpu.memory_space<vmem>> -> memref<64x128xf32, #tpu.memory_space<vmem>>
    tpu.wait_dma2 semaphore(%dma_wait3A_155 : memref<!tpu.dma_semaphore, #tpu.memory_space<semaphore_mem>>) src(%dma_wait3A_162 : memref<64x128xf32, #tpu.memory_space<vmem>>) dst(%dma_wait3A_158 : memref<64x128xf32, #tpu.memory_space<hbm>>)
    %add3A_163 = arith.constant 64 : i32
    %add3A_164 = arith.addi %mul3A_2, %add3A_163 : i32
    %dma_wait3A_165 = arith.constant 1 : i32
    %dma_wait3A_166 = arith.constant 45 : i32
    %dma_wait3A_167 = arith.constant 1 : i32
    %dma_wait3A_168 = arith.constant 0 : i32
    %dma_wait3A_169 = arith.constant 0 : i32
    %dma_wait3A_170 = tpu.memref_slice %arg6[%dma_wait3A_165, %dma_wait3A_168, %dma_wait3A_169] : memref<10x64x128xf32, #tpu.memory_space<vmem>> -> memref<1x64x128xf32, #tpu.memory_space<vmem>>
    %dma_wait3A_171 = tpu.memref_squeeze %dma_wait3A_170 : memref<1x64x128xf32, #tpu.memory_space<vmem>> -> memref<64x128xf32, #tpu.memory_space<vmem>>
    %dma_wait3A_172 = arith.constant 0 : i32
    %dma_wait3A_173 = tpu.memref_slice %arg4[%dma_wait3A_166, %add3A_164, %dma_wait3A_172] : memref<50x4096x128xf32, #tpu.memory_space<hbm>> -> memref<1x64x128xf32, #tpu.memory_space<hbm>>
    %dma_wait3A_174 = tpu.memref_squeeze %dma_wait3A_173 : memref<1x64x128xf32, #tpu.memory_space<hbm>> -> memref<64x128xf32, #tpu.memory_space<hbm>>
    %dma_wait3A_175 = tpu.memref_slice %arg8[%dma_wait3A_167] : memref<10x!tpu.dma_semaphore, #tpu.memory_space<semaphore_mem>> -> memref<1x!tpu.dma_semaphore, #tpu.memory_space<semaphore_mem>>
    %dma_wait3A_176 = tpu.memref_squeeze %dma_wait3A_175 : memref<1x!tpu.dma_semaphore, #tpu.memory_space<semaphore_mem>> -> memref<!tpu.dma_semaphore, #tpu.memory_space<semaphore_mem>>
    %dma_wait3A_177 = arith.constant 0 : i32
    %dma_wait3A_178 = tpu.memref_slice %arg4[%dma_wait3A_166, %add3A_164, %dma_wait3A_177] : memref<50x4096x128xf32, #tpu.memory_space<hbm>> -> memref<1x64x128xf32, #tpu.memory_space<hbm>>
    %dma_wait3A_179 = tpu.memref_squeeze %dma_wait3A_178 : memref<1x64x128xf32, #tpu.memory_space<hbm>> -> memref<64x128xf32, #tpu.memory_space<hbm>>
    %dma_wait3A_180 = arith.constant 0 : i32
    %dma_wait3A_181 = arith.constant 0 : i32
    %dma_wait3A_182 = tpu.memref_slice %arg6[%dma_wait3A_165, %dma_wait3A_180, %dma_wait3A_181] : memref<10x64x128xf32, #tpu.memory_space<vmem>> -> memref<1x64x128xf32, #tpu.memory_space<vmem>>
    %dma_wait3A_183 = tpu.memref_squeeze %dma_wait3A_182 : memref<1x64x128xf32, #tpu.memory_space<vmem>> -> memref<64x128xf32, #tpu.memory_space<vmem>>
    tpu.wait_dma2 semaphore(%dma_wait3A_176 : memref<!tpu.dma_semaphore, #tpu.memory_space<semaphore_mem>>) src(%dma_wait3A_183 : memref<64x128xf32, #tpu.memory_space<vmem>>) dst(%dma_wait3A_179 : memref<64x128xf32, #tpu.memory_space<hbm>>)
    %add3A_184 = arith.constant 0 : i32
    %add3A_185 = arith.addi %mul3A_2, %add3A_184 : i32
    %dma_wait3A_186 = arith.constant 2 : i32
    %dma_wait3A_187 = arith.constant 46 : i32
    %dma_wait3A_188 = arith.constant 2 : i32
    %dma_wait3A_189 = arith.constant 0 : i32
    %dma_wait3A_190 = arith.constant 0 : i32
    %dma_wait3A_191 = tpu.memref_slice %arg6[%dma_wait3A_186, %dma_wait3A_189, %dma_wait3A_190] : memref<10x64x128xf32, #tpu.memory_space<vmem>> -> memref<1x64x128xf32, #tpu.memory_space<vmem>>
    %dma_wait3A_192 = tpu.memref_squeeze %dma_wait3A_191 : memref<1x64x128xf32, #tpu.memory_space<vmem>> -> memref<64x128xf32, #tpu.memory_space<vmem>>
    %dma_wait3A_193 = arith.constant 0 : i32
    %dma_wait3A_194 = tpu.memref_slice %arg4[%dma_wait3A_187, %add3A_185, %dma_wait3A_193] : memref<50x4096x128xf32, #tpu.memory_space<hbm>> -> memref<1x64x128xf32, #tpu.memory_space<hbm>>
    %dma_wait3A_195 = tpu.memref_squeeze %dma_wait3A_194 : memref<1x64x128xf32, #tpu.memory_space<hbm>> -> memref<64x128xf32, #tpu.memory_space<hbm>>
    %dma_wait3A_196 = tpu.memref_slice %arg8[%dma_wait3A_188] : memref<10x!tpu.dma_semaphore, #tpu.memory_space<semaphore_mem>> -> memref<1x!tpu.dma_semaphore, #tpu.memory_space<semaphore_mem>>
    %dma_wait3A_197 = tpu.memref_squeeze %dma_wait3A_196 : memref<1x!tpu.dma_semaphore, #tpu.memory_space<semaphore_mem>> -> memref<!tpu.dma_semaphore, #tpu.memory_space<semaphore_mem>>
    %dma_wait3A_198 = arith.constant 0 : i32
    %dma_wait3A_199 = tpu.memref_slice %arg4[%dma_wait3A_187, %add3A_185, %dma_wait3A_198] : memref<50x4096x128xf32, #tpu.memory_space<hbm>> -> memref<1x64x128xf32, #tpu.memory_space<hbm>>
    %dma_wait3A_200 = tpu.memref_squeeze %dma_wait3A_199 : memref<1x64x128xf32, #tpu.memory_space<hbm>> -> memref<64x128xf32, #tpu.memory_space<hbm>>
    %dma_wait3A_201 = arith.constant 0 : i32
    %dma_wait3A_202 = arith.constant 0 : i32
    %dma_wait3A_203 = tpu.memref_slice %arg6[%dma_wait3A_186, %dma_wait3A_201, %dma_wait3A_202] : memref<10x64x128xf32, #tpu.memory_space<vmem>> -> memref<1x64x128xf32, #tpu.memory_space<vmem>>
    %dma_wait3A_204 = tpu.memref_squeeze %dma_wait3A_203 : memref<1x64x128xf32, #tpu.memory_space<vmem>> -> memref<64x128xf32, #tpu.memory_space<vmem>>
    tpu.wait_dma2 semaphore(%dma_wait3A_197 : memref<!tpu.dma_semaphore, #tpu.memory_space<semaphore_mem>>) src(%dma_wait3A_204 : memref<64x128xf32, #tpu.memory_space<vmem>>) dst(%dma_wait3A_200 : memref<64x128xf32, #tpu.memory_space<hbm>>)
    %add3A_205 = arith.constant 64 : i32
    %add3A_206 = arith.addi %mul3A_2, %add3A_205 : i32
    %dma_wait3A_207 = arith.constant 3 : i32
    %dma_wait3A_208 = arith.constant 46 : i32
    %dma_wait3A_209 = arith.constant 3 : i32
    %dma_wait3A_210 = arith.constant 0 : i32
    %dma_wait3A_211 = arith.constant 0 : i32
    %dma_wait3A_212 = tpu.memref_slice %arg6[%dma_wait3A_207, %dma_wait3A_210, %dma_wait3A_211] : memref<10x64x128xf32, #tpu.memory_space<vmem>> -> memref<1x64x128xf32, #tpu.memory_space<vmem>>
    %dma_wait3A_213 = tpu.memref_squeeze %dma_wait3A_212 : memref<1x64x128xf32, #tpu.memory_space<vmem>> -> memref<64x128xf32, #tpu.memory_space<vmem>>
    %dma_wait3A_214 = arith.constant 0 : i32
    %dma_wait3A_215 = tpu.memref_slice %arg4[%dma_wait3A_208, %add3A_206, %dma_wait3A_214] : memref<50x4096x128xf32, #tpu.memory_space<hbm>> -> memref<1x64x128xf32, #tpu.memory_space<hbm>>
    %dma_wait3A_216 = tpu.memref_squeeze %dma_wait3A_215 : memref<1x64x128xf32, #tpu.memory_space<hbm>> -> memref<64x128xf32, #tpu.memory_space<hbm>>
    %dma_wait3A_217 = tpu.memref_slice %arg8[%dma_wait3A_209] : memref<10x!tpu.dma_semaphore, #tpu.memory_space<semaphore_mem>> -> memref<1x!tpu.dma_semaphore, #tpu.memory_space<semaphore_mem>>
    %dma_wait3A_218 = tpu.memref_squeeze %dma_wait3A_217 : memref<1x!tpu.dma_semaphore, #tpu.memory_space<semaphore_mem>> -> memref<!tpu.dma_semaphore, #tpu.memory_space<semaphore_mem>>
    %dma_wait3A_219 = arith.constant 0 : i32
    %dma_wait3A_220 = tpu.memref_slice %arg4[%dma_wait3A_208, %add3A_206, %dma_wait3A_219] : memref<50x4096x128xf32, #tpu.memory_space<hbm>> -> memref<1x64x128xf32, #tpu.memory_space<hbm>>
    %dma_wait3A_221 = tpu.memref_squeeze %dma_wait3A_220 : memref<1x64x128xf32, #tpu.memory_space<hbm>> -> memref<64x128xf32, #tpu.memory_space<hbm>>
    %dma_wait3A_222 = arith.constant 0 : i32
    %dma_wait3A_223 = arith.constant 0 : i32
    %dma_wait3A_224 = tpu.memref_slice %arg6[%dma_wait3A_207, %dma_wait3A_222, %dma_wait3A_223] : memref<10x64x128xf32, #tpu.memory_space<vmem>> -> memref<1x64x128xf32, #tpu.memory_space<vmem>>
    %dma_wait3A_225 = tpu.memref_squeeze %dma_wait3A_224 : memref<1x64x128xf32, #tpu.memory_space<vmem>> -> memref<64x128xf32, #tpu.memory_space<vmem>>
    tpu.wait_dma2 semaphore(%dma_wait3A_218 : memref<!tpu.dma_semaphore, #tpu.memory_space<semaphore_mem>>) src(%dma_wait3A_225 : memref<64x128xf32, #tpu.memory_space<vmem>>) dst(%dma_wait3A_221 : memref<64x128xf32, #tpu.memory_space<hbm>>)
    %add3A_226 = arith.constant 0 : i32
    %add3A_227 = arith.addi %mul3A_2, %add3A_226 : i32
    %dma_wait3A_228 = arith.constant 4 : i32
    %dma_wait3A_229 = arith.constant 47 : i32
    %dma_wait3A_230 = arith.constant 4 : i32
    %dma_wait3A_231 = arith.constant 0 : i32
    %dma_wait3A_232 = arith.constant 0 : i32
    %dma_wait3A_233 = tpu.memref_slice %arg6[%dma_wait3A_228, %dma_wait3A_231, %dma_wait3A_232] : memref<10x64x128xf32, #tpu.memory_space<vmem>> -> memref<1x64x128xf32, #tpu.memory_space<vmem>>
    %dma_wait3A_234 = tpu.memref_squeeze %dma_wait3A_233 : memref<1x64x128xf32, #tpu.memory_space<vmem>> -> memref<64x128xf32, #tpu.memory_space<vmem>>
    %dma_wait3A_235 = arith.constant 0 : i32
    %dma_wait3A_236 = tpu.memref_slice %arg4[%dma_wait3A_229, %add3A_227, %dma_wait3A_235] : memref<50x4096x128xf32, #tpu.memory_space<hbm>> -> memref<1x64x128xf32, #tpu.memory_space<hbm>>
    %dma_wait3A_237 = tpu.memref_squeeze %dma_wait3A_236 : memref<1x64x128xf32, #tpu.memory_space<hbm>> -> memref<64x128xf32, #tpu.memory_space<hbm>>
    %dma_wait3A_238 = tpu.memref_slice %arg8[%dma_wait3A_230] : memref<10x!tpu.dma_semaphore, #tpu.memory_space<semaphore_mem>> -> memref<1x!tpu.dma_semaphore, #tpu.memory_space<semaphore_mem>>
    %dma_wait3A_239 = tpu.memref_squeeze %dma_wait3A_238 : memref<1x!tpu.dma_semaphore, #tpu.memory_space<semaphore_mem>> -> memref<!tpu.dma_semaphore, #tpu.memory_space<semaphore_mem>>
    %dma_wait3A_240 = arith.constant 0 : i32
    %dma_wait3A_241 = tpu.memref_slice %arg4[%dma_wait3A_229, %add3A_227, %dma_wait3A_240] : memref<50x4096x128xf32, #tpu.memory_space<hbm>> -> memref<1x64x128xf32, #tpu.memory_space<hbm>>
    %dma_wait3A_242 = tpu.memref_squeeze %dma_wait3A_241 : memref<1x64x128xf32, #tpu.memory_space<hbm>> -> memref<64x128xf32, #tpu.memory_space<hbm>>
    %dma_wait3A_243 = arith.constant 0 : i32
    %dma_wait3A_244 = arith.constant 0 : i32
    %dma_wait3A_245 = tpu.memref_slice %arg6[%dma_wait3A_228, %dma_wait3A_243, %dma_wait3A_244] : memref<10x64x128xf32, #tpu.memory_space<vmem>> -> memref<1x64x128xf32, #tpu.memory_space<vmem>>
    %dma_wait3A_246 = tpu.memref_squeeze %dma_wait3A_245 : memref<1x64x128xf32, #tpu.memory_space<vmem>> -> memref<64x128xf32, #tpu.memory_space<vmem>>
    tpu.wait_dma2 semaphore(%dma_wait3A_239 : memref<!tpu.dma_semaphore, #tpu.memory_space<semaphore_mem>>) src(%dma_wait3A_246 : memref<64x128xf32, #tpu.memory_space<vmem>>) dst(%dma_wait3A_242 : memref<64x128xf32, #tpu.memory_space<hbm>>)
    %add3A_247 = arith.constant 64 : i32
    %add3A_248 = arith.addi %mul3A_2, %add3A_247 : i32
    %dma_wait3A_249 = arith.constant 5 : i32
    %dma_wait3A_250 = arith.constant 47 : i32
    %dma_wait3A_251 = arith.constant 5 : i32
    %dma_wait3A_252 = arith.constant 0 : i32
    %dma_wait3A_253 = arith.constant 0 : i32
    %dma_wait3A_254 = tpu.memref_slice %arg6[%dma_wait3A_249, %dma_wait3A_252, %dma_wait3A_253] : memref<10x64x128xf32, #tpu.memory_space<vmem>> -> memref<1x64x128xf32, #tpu.memory_space<vmem>>
    %dma_wait3A_255 = tpu.memref_squeeze %dma_wait3A_254 : memref<1x64x128xf32, #tpu.memory_space<vmem>> -> memref<64x128xf32, #tpu.memory_space<vmem>>
    %dma_wait3A_256 = arith.constant 0 : i32
    %dma_wait3A_257 = tpu.memref_slice %arg4[%dma_wait3A_250, %add3A_248, %dma_wait3A_256] : memref<50x4096x128xf32, #tpu.memory_space<hbm>> -> memref<1x64x128xf32, #tpu.memory_space<hbm>>
    %dma_wait3A_258 = tpu.memref_squeeze %dma_wait3A_257 : memref<1x64x128xf32, #tpu.memory_space<hbm>> -> memref<64x128xf32, #tpu.memory_space<hbm>>
    %dma_wait3A_259 = tpu.memref_slice %arg8[%dma_wait3A_251] : memref<10x!tpu.dma_semaphore, #tpu.memory_space<semaphore_mem>> -> memref<1x!tpu.dma_semaphore, #tpu.memory_space<semaphore_mem>>
    %dma_wait3A_260 = tpu.memref_squeeze %dma_wait3A_259 : memref<1x!tpu.dma_semaphore, #tpu.memory_space<semaphore_mem>> -> memref<!tpu.dma_semaphore, #tpu.memory_space<semaphore_mem>>
    %dma_wait3A_261 = arith.constant 0 : i32
    %dma_wait3A_262 = tpu.memref_slice %arg4[%dma_wait3A_250, %add3A_248, %dma_wait3A_261] : memref<50x4096x128xf32, #tpu.memory_space<hbm>> -> memref<1x64x128xf32, #tpu.memory_space<hbm>>
    %dma_wait3A_263 = tpu.memref_squeeze %dma_wait3A_262 : memref<1x64x128xf32, #tpu.memory_space<hbm>> -> memref<64x128xf32, #tpu.memory_space<hbm>>
    %dma_wait3A_264 = arith.constant 0 : i32
    %dma_wait3A_265 = arith.constant 0 : i32
    %dma_wait3A_266 = tpu.memref_slice %arg6[%dma_wait3A_249, %dma_wait3A_264, %dma_wait3A_265] : memref<10x64x128xf32, #tpu.memory_space<vmem>> -> memref<1x64x128xf32, #tpu.memory_space<vmem>>
    %dma_wait3A_267 = tpu.memref_squeeze %dma_wait3A_266 : memref<1x64x128xf32, #tpu.memory_space<vmem>> -> memref<64x128xf32, #tpu.memory_space<vmem>>
    tpu.wait_dma2 semaphore(%dma_wait3A_260 : memref<!tpu.dma_semaphore, #tpu.memory_space<semaphore_mem>>) src(%dma_wait3A_267 : memref<64x128xf32, #tpu.memory_space<vmem>>) dst(%dma_wait3A_263 : memref<64x128xf32, #tpu.memory_space<hbm>>)
    %add3A_268 = arith.constant 0 : i32
    %add3A_269 = arith.addi %mul3A_2, %add3A_268 : i32
    %dma_wait3A_270 = arith.constant 6 : i32
    %dma_wait3A_271 = arith.constant 48 : i32
    %dma_wait3A_272 = arith.constant 6 : i32
    %dma_wait3A_273 = arith.constant 0 : i32
    %dma_wait3A_274 = arith.constant 0 : i32
    %dma_wait3A_275 = tpu.memref_slice %arg6[%dma_wait3A_270, %dma_wait3A_273, %dma_wait3A_274] : memref<10x64x128xf32, #tpu.memory_space<vmem>> -> memref<1x64x128xf32, #tpu.memory_space<vmem>>
    %dma_wait3A_276 = tpu.memref_squeeze %dma_wait3A_275 : memref<1x64x128xf32, #tpu.memory_space<vmem>> -> memref<64x128xf32, #tpu.memory_space<vmem>>
    %dma_wait3A_277 = arith.constant 0 : i32
    %dma_wait3A_278 = tpu.memref_slice %arg4[%dma_wait3A_271, %add3A_269, %dma_wait3A_277] : memref<50x4096x128xf32, #tpu.memory_space<hbm>> -> memref<1x64x128xf32, #tpu.memory_space<hbm>>
    %dma_wait3A_279 = tpu.memref_squeeze %dma_wait3A_278 : memref<1x64x128xf32, #tpu.memory_space<hbm>> -> memref<64x128xf32, #tpu.memory_space<hbm>>
    %dma_wait3A_280 = tpu.memref_slice %arg8[%dma_wait3A_272] : memref<10x!tpu.dma_semaphore, #tpu.memory_space<semaphore_mem>> -> memref<1x!tpu.dma_semaphore, #tpu.memory_space<semaphore_mem>>
    %dma_wait3A_281 = tpu.memref_squeeze %dma_wait3A_280 : memref<1x!tpu.dma_semaphore, #tpu.memory_space<semaphore_mem>> -> memref<!tpu.dma_semaphore, #tpu.memory_space<semaphore_mem>>
    %dma_wait3A_282 = arith.constant 0 : i32
    %dma_wait3A_283 = tpu.memref_slice %arg4[%dma_wait3A_271, %add3A_269, %dma_wait3A_282] : memref<50x4096x128xf32, #tpu.memory_space<hbm>> -> memref<1x64x128xf32, #tpu.memory_space<hbm>>
    %dma_wait3A_284 = tpu.memref_squeeze %dma_wait3A_283 : memref<1x64x128xf32, #tpu.memory_space<hbm>> -> memref<64x128xf32, #tpu.memory_space<hbm>>
    %dma_wait3A_285 = arith.constant 0 : i32
    %dma_wait3A_286 = arith.constant 0 : i32
    %dma_wait3A_287 = tpu.memref_slice %arg6[%dma_wait3A_270, %dma_wait3A_285, %dma_wait3A_286] : memref<10x64x128xf32, #tpu.memory_space<vmem>> -> memref<1x64x128xf32, #tpu.memory_space<vmem>>
    %dma_wait3A_288 = tpu.memref_squeeze %dma_wait3A_287 : memref<1x64x128xf32, #tpu.memory_space<vmem>> -> memref<64x128xf32, #tpu.memory_space<vmem>>
    tpu.wait_dma2 semaphore(%dma_wait3A_281 : memref<!tpu.dma_semaphore, #tpu.memory_space<semaphore_mem>>) src(%dma_wait3A_288 : memref<64x128xf32, #tpu.memory_space<vmem>>) dst(%dma_wait3A_284 : memref<64x128xf32, #tpu.memory_space<hbm>>)
    %add3A_289 = arith.constant 64 : i32
    %add3A_290 = arith.addi %mul3A_2, %add3A_289 : i32
    %dma_wait3A_291 = arith.constant 7 : i32
    %dma_wait3A_292 = arith.constant 48 : i32
    %dma_wait3A_293 = arith.constant 7 : i32
    %dma_wait3A_294 = arith.constant 0 : i32
    %dma_wait3A_295 = arith.constant 0 : i32
    %dma_wait3A_296 = tpu.memref_slice %arg6[%dma_wait3A_291, %dma_wait3A_294, %dma_wait3A_295] : memref<10x64x128xf32, #tpu.memory_space<vmem>> -> memref<1x64x128xf32, #tpu.memory_space<vmem>>
    %dma_wait3A_297 = tpu.memref_squeeze %dma_wait3A_296 : memref<1x64x128xf32, #tpu.memory_space<vmem>> -> memref<64x128xf32, #tpu.memory_space<vmem>>
    %dma_wait3A_298 = arith.constant 0 : i32
    %dma_wait3A_299 = tpu.memref_slice %arg4[%dma_wait3A_292, %add3A_290, %dma_wait3A_298] : memref<50x4096x128xf32, #tpu.memory_space<hbm>> -> memref<1x64x128xf32, #tpu.memory_space<hbm>>
    %dma_wait3A_300 = tpu.memref_squeeze %dma_wait3A_299 : memref<1x64x128xf32, #tpu.memory_space<hbm>> -> memref<64x128xf32, #tpu.memory_space<hbm>>
    %dma_wait3A_301 = tpu.memref_slice %arg8[%dma_wait3A_293] : memref<10x!tpu.dma_semaphore, #tpu.memory_space<semaphore_mem>> -> memref<1x!tpu.dma_semaphore, #tpu.memory_space<semaphore_mem>>
    %dma_wait3A_302 = tpu.memref_squeeze %dma_wait3A_301 : memref<1x!tpu.dma_semaphore, #tpu.memory_space<semaphore_mem>> -> memref<!tpu.dma_semaphore, #tpu.memory_space<semaphore_mem>>
    %dma_wait3A_303 = arith.constant 0 : i32
    %dma_wait3A_304 = tpu.memref_slice %arg4[%dma_wait3A_292, %add3A_290, %dma_wait3A_303] : memref<50x4096x128xf32, #tpu.memory_space<hbm>> -> memref<1x64x128xf32, #tpu.memory_space<hbm>>
    %dma_wait3A_305 = tpu.memref_squeeze %dma_wait3A_304 : memref<1x64x128xf32, #tpu.memory_space<hbm>> -> memref<64x128xf32, #tpu.memory_space<hbm>>
    %dma_wait3A_306 = arith.constant 0 : i32
    %dma_wait3A_307 = arith.constant 0 : i32
    %dma_wait3A_308 = tpu.memref_slice %arg6[%dma_wait3A_291, %dma_wait3A_306, %dma_wait3A_307] : memref<10x64x128xf32, #tpu.memory_space<vmem>> -> memref<1x64x128xf32, #tpu.memory_space<vmem>>
    %dma_wait3A_309 = tpu.memref_squeeze %dma_wait3A_308 : memref<1x64x128xf32, #tpu.memory_space<vmem>> -> memref<64x128xf32, #tpu.memory_space<vmem>>
    tpu.wait_dma2 semaphore(%dma_wait3A_302 : memref<!tpu.dma_semaphore, #tpu.memory_space<semaphore_mem>>) src(%dma_wait3A_309 : memref<64x128xf32, #tpu.memory_space<vmem>>) dst(%dma_wait3A_305 : memref<64x128xf32, #tpu.memory_space<hbm>>)
    %add3A_310 = arith.constant 0 : i32
    %add3A_311 = arith.addi %mul3A_2, %add3A_310 : i32
    %dma_wait3A_312 = arith.constant 8 : i32
    %dma_wait3A_313 = arith.constant 49 : i32
    %dma_wait3A_314 = arith.constant 8 : i32
    %dma_wait3A_315 = arith.constant 0 : i32
    %dma_wait3A_316 = arith.constant 0 : i32
    %dma_wait3A_317 = tpu.memref_slice %arg6[%dma_wait3A_312, %dma_wait3A_315, %dma_wait3A_316] : memref<10x64x128xf32, #tpu.memory_space<vmem>> -> memref<1x64x128xf32, #tpu.memory_space<vmem>>
    %dma_wait3A_318 = tpu.memref_squeeze %dma_wait3A_317 : memref<1x64x128xf32, #tpu.memory_space<vmem>> -> memref<64x128xf32, #tpu.memory_space<vmem>>
    %dma_wait3A_319 = arith.constant 0 : i32
    %dma_wait3A_320 = tpu.memref_slice %arg4[%dma_wait3A_313, %add3A_311, %dma_wait3A_319] : memref<50x4096x128xf32, #tpu.memory_space<hbm>> -> memref<1x64x128xf32, #tpu.memory_space<hbm>>
    %dma_wait3A_321 = tpu.memref_squeeze %dma_wait3A_320 : memref<1x64x128xf32, #tpu.memory_space<hbm>> -> memref<64x128xf32, #tpu.memory_space<hbm>>
    %dma_wait3A_322 = tpu.memref_slice %arg8[%dma_wait3A_314] : memref<10x!tpu.dma_semaphore, #tpu.memory_space<semaphore_mem>> -> memref<1x!tpu.dma_semaphore, #tpu.memory_space<semaphore_mem>>
    %dma_wait3A_323 = tpu.memref_squeeze %dma_wait3A_322 : memref<1x!tpu.dma_semaphore, #tpu.memory_space<semaphore_mem>> -> memref<!tpu.dma_semaphore, #tpu.memory_space<semaphore_mem>>
    %dma_wait3A_324 = arith.constant 0 : i32
    %dma_wait3A_325 = tpu.memref_slice %arg4[%dma_wait3A_313, %add3A_311, %dma_wait3A_324] : memref<50x4096x128xf32, #tpu.memory_space<hbm>> -> memref<1x64x128xf32, #tpu.memory_space<hbm>>
    %dma_wait3A_326 = tpu.memref_squeeze %dma_wait3A_325 : memref<1x64x128xf32, #tpu.memory_space<hbm>> -> memref<64x128xf32, #tpu.memory_space<hbm>>
    %dma_wait3A_327 = arith.constant 0 : i32
    %dma_wait3A_328 = arith.constant 0 : i32
    %dma_wait3A_329 = tpu.memref_slice %arg6[%dma_wait3A_312, %dma_wait3A_327, %dma_wait3A_328] : memref<10x64x128xf32, #tpu.memory_space<vmem>> -> memref<1x64x128xf32, #tpu.memory_space<vmem>>
    %dma_wait3A_330 = tpu.memref_squeeze %dma_wait3A_329 : memref<1x64x128xf32, #tpu.memory_space<vmem>> -> memref<64x128xf32, #tpu.memory_space<vmem>>
    tpu.wait_dma2 semaphore(%dma_wait3A_323 : memref<!tpu.dma_semaphore, #tpu.memory_space<semaphore_mem>>) src(%dma_wait3A_330 : memref<64x128xf32, #tpu.memory_space<vmem>>) dst(%dma_wait3A_326 : memref<64x128xf32, #tpu.memory_space<hbm>>)
    %add3A_331 = arith.constant 64 : i32
    %add3A_332 = arith.addi %mul3A_2, %add3A_331 : i32
    %dma_wait3A_333 = arith.constant 9 : i32
    %dma_wait3A_334 = arith.constant 49 : i32
    %dma_wait3A_335 = arith.constant 9 : i32
    %dma_wait3A_336 = arith.constant 0 : i32
    %dma_wait3A_337 = arith.constant 0 : i32
    %dma_wait3A_338 = tpu.memref_slice %arg6[%dma_wait3A_333, %dma_wait3A_336, %dma_wait3A_337] : memref<10x64x128xf32, #tpu.memory_space<vmem>> -> memref<1x64x128xf32, #tpu.memory_space<vmem>>
    %dma_wait3A_339 = tpu.memref_squeeze %dma_wait3A_338 : memref<1x64x128xf32, #tpu.memory_space<vmem>> -> memref<64x128xf32, #tpu.memory_space<vmem>>
    %dma_wait3A_340 = arith.constant 0 : i32
    %dma_wait3A_341 = tpu.memref_slice %arg4[%dma_wait3A_334, %add3A_332, %dma_wait3A_340] : memref<50x4096x128xf32, #tpu.memory_space<hbm>> -> memref<1x64x128xf32, #tpu.memory_space<hbm>>
    %dma_wait3A_342 = tpu.memref_squeeze %dma_wait3A_341 : memref<1x64x128xf32, #tpu.memory_space<hbm>> -> memref<64x128xf32, #tpu.memory_space<hbm>>
    %dma_wait3A_343 = tpu.memref_slice %arg8[%dma_wait3A_335] : memref<10x!tpu.dma_semaphore, #tpu.memory_space<semaphore_mem>> -> memref<1x!tpu.dma_semaphore, #tpu.memory_space<semaphore_mem>>
    %dma_wait3A_344 = tpu.memref_squeeze %dma_wait3A_343 : memref<1x!tpu.dma_semaphore, #tpu.memory_space<semaphore_mem>> -> memref<!tpu.dma_semaphore, #tpu.memory_space<semaphore_mem>>
    %dma_wait3A_345 = arith.constant 0 : i32
    %dma_wait3A_346 = tpu.memref_slice %arg4[%dma_wait3A_334, %add3A_332, %dma_wait3A_345] : memref<50x4096x128xf32, #tpu.memory_space<hbm>> -> memref<1x64x128xf32, #tpu.memory_space<hbm>>
    %dma_wait3A_347 = tpu.memref_squeeze %dma_wait3A_346 : memref<1x64x128xf32, #tpu.memory_space<hbm>> -> memref<64x128xf32, #tpu.memory_space<hbm>>
    %dma_wait3A_348 = arith.constant 0 : i32
    %dma_wait3A_349 = arith.constant 0 : i32
    %dma_wait3A_350 = tpu.memref_slice %arg6[%dma_wait3A_333, %dma_wait3A_348, %dma_wait3A_349] : memref<10x64x128xf32, #tpu.memory_space<vmem>> -> memref<1x64x128xf32, #tpu.memory_space<vmem>>
    %dma_wait3A_351 = tpu.memref_squeeze %dma_wait3A_350 : memref<1x64x128xf32, #tpu.memory_space<vmem>> -> memref<64x128xf32, #tpu.memory_space<vmem>>
    tpu.wait_dma2 semaphore(%dma_wait3A_344 : memref<!tpu.dma_semaphore, #tpu.memory_space<semaphore_mem>>) src(%dma_wait3A_351 : memref<64x128xf32, #tpu.memory_space<vmem>>) dst(%dma_wait3A_347 : memref<64x128xf32, #tpu.memory_space<hbm>>)
    return
  }
}

</mosaic_0001>

<sc_bundles>
// kernel: _embedding_gather.3.cloned.1.call-start
scs
__scs_entry_jumppad:
0x0: {  	(pc) =	sbr.rel $0x88, $3  }
0x1: {  	(tag) =	ssettag $0x0;
	lr =	simm.s32 $0x1  }
0x2: {  	[smem:$0x3F9F] =	sst lr;
	_ =	strace $0xD0000000  }
0x3: {  	_ = 	snop  }
0x4: {  	_ = 	snop  }
0x5: {  	_ = 	snop  }
0x6: {  	_ = 	snop  }
0x7: {  	_ = 	snop  }
__scs_overlays_trampoline_lowered:
0x8: {  	[smem:$0x3FAE] =	sst s0  }
0x9: {  	[smem:$0x3FAF] =	sst s1  }
0xa: {  	[smem:$0x3FB0] =	sst s2  }
0xb: {  	[smem:$0x3FB1] =	sst s3  }
0xc: {  	[smem:$0x3FB2] =	sst s4  }
0xd: {  	[smem:$0x3FB3] =	sst s5  }
0xe: {  	[smem:$0x3FB4] =	sst s6  }
0xf: {  	[smem:$0x3FB5] =	sst s7  }
0x10: {  	[smem:$0x3FB6] =	sst s8  }
0x11: {  	[smem:$0x3FB7] =	sst s9;
	s0 =	simm.s32 @!p0 $0x0  }
0x12: {  	s1 =	sld [smem:$0x3F9D];
	s0 =	simm.s32 @p0 $0x1  }
0x13: {  	[smem:$0x3FB8] =	sst s0;
	s0 =	simm.s32 @!p1 $0x0  }
0x14: {  	s2 =	sld [smem:$0x3F9C];
	s0 =	simm.s32 @p1 $0x1  }
0x15: {  	[smem:$0x3FB9] =	sst s0;
	s0 =	simm.s32 @!p2 $0x0  }
0x16: {  	s3 =	sld [smem:$0x3FDB];
	s0 =	simm.s32 @p2 $0x1  }
0x17: {  	s4 =	simm.s32 $0x1BF5;
	[smem:$0x3FBB] =	sst s0  }
0x18: {  	s0 =	sld [smem:$0x3F9E];
	_ =	swait.ge [sflag:s4], $0x0  }
0x19: {  	s7 =	sld [smem:$0x3F9F]  }
0x1a: {  	s8 =	sadd.s32 $0xFFFFE003, lr  }
0x1b: {  	s9 =	sadd.s32 $0xFFFFFEF7, lr;
	s5 =	simm.s32 $0xFFFFFFFF;
	p2 =	slt.u32 s8, $0xFFFFF086  }
0x1c: {  	p1 =	slt.u32 s9, $0xF7A;
	s5 =	simm.s32 @!p2 $0x0  }
0x1d: {  	s5 =	simm.s32 @p1 $0x1;
	p0 =	seq.s32 s7, s2  }
0x1e: {  	s7 =	smul.u32 @!p0 $0xF7A, s2;
	p2 =	seq.s32 @!p0 s5, $0x0  }
0x1f: {  	s9 =	smul.u32 $0xF7A, s1;
	s8 =	simm.s32 @!p0 $0x1BF5;
	p2 =	por !p2, p0  }
0x20: {  	[sflag:s8] =	ssyncset.s32 @!p0 $0xFFFFF086;
	s6 =	sadd.s32 @!p0 s3, s7;
	s7 =	simm.s32 @!p0 $0x108  }
0x21: {  	s3 =	sadd.s32 s3, s9;
	s6 =	sadd.s32 @!p0 $0x88, s6;
	s7 =	simm.s32 @p2 $0x1082  }
0x22: {  	[simem:s7], [sflag:s8] =	dma.local @!p0 [hbm:s6], $0xF7A  }
0x23: {  	s9 =	sor.u32 $0xD0000000, s2;
	s6 =	simm.s32 $0x108;
	_ =	swait.ge @!p0 [sflag:s8], $0x0  }
0x24: {  	s3 =	sadd.s32 $0x88, s3;
	s6 =	simm.s32 @!p1 $0x1082;
	[sflag:s4] =	ssyncset.s32 $0xFFFFF086  }
0x25: {  	[simem:s6], [sflag:s4] =	dma.local [hbm:s3], $0xF7A  }
0x26: {  	[smem:$0x3F9F] =	sst s1;
	(tag) =	ssettag s2;
	_ =	strace s9  }
0x27: {  	s1 =	sld [smem:$0x3FAF]  }
0x28: {  	s2 =	sld [smem:$0x3FB0]  }
0x29: {  	s4 =	sld [smem:$0x3FB2]  }
0x2a: {  	p0 =	seq.s32 s5, $0x0;
	s5 =	sld [smem:$0x3FB3]  }
0x2b: {  	s6 =	sld [smem:$0x3FB4]  }
0x2c: {  	s7 =	sld [smem:$0x3FB5]  }
0x2d: {  	s3 =	simm.s32 $0x108;
	s8 =	sld [smem:$0x3FB6]  }
0x2e: {  	s3 =	simm.s32 @!p0 $0x1082;
	s9 =	sld [smem:$0x3FB7]  }
0x2f: {  	lr =	sadd.s32 s0, s3;
	s0 =	sld [smem:$0x3FAE]  }
0x30: {  	s3 =	sld [smem:$0x3FB1]  }
0x31: {  	[smem:$0x3FBA] =	sst s10  }
0x32: {  	s10 =	sld [smem:$0x3FB8];
	_ =	sdelay $0x3  }
0x33: {  	p0 =	seq.s32 s10, $0x1;
	s10 =	sld [smem:$0x3FBA];
	_ =	sdelay $0x3  }
0x34: {  	[smem:$0x3FBA] =	sst s10  }
0x35: {  	s10 =	sld [smem:$0x3FB9];
	_ =	sdelay $0x3  }
0x36: {  	p1 =	seq.s32 s10, $0x1;
	s10 =	sld [smem:$0x3FBA];
	_ =	sdelay $0x3  }
0x37: {  	[smem:$0x3FBA] =	sst s10  }
0x38: {  	s10 =	sld [smem:$0x3FBB]  }
0x39: {  	_ = 	snop;
	(pc) =	sbr.ind lr, $3  }
0x3a: {  	_ = 	snop  }
0x3b: {  	_ = 	snop  }
0x3c: {  	p2 =	seq.s32 s10, $0x1;
	s10 =	sld [smem:$0x3FBA]  }
0x3d: {  	_ =	shalt  }
0x3e: {  	_ =	shalt  }
0x3f: {  	_ =	shalt  }
0x40: {  	_ =	shalt  }
0x41: {  	_ =	shalt  }
0x42: {  	_ =	shalt  }
0x43: {  	_ =	shalt  }
0x44: {  	_ =	shalt  }
0x45: {  	_ =	shalt  }
0x46: {  	_ =	shalt  }
0x47: {  	_ =	shalt  }
0x48: {  	_ =	shalt  }
0x49: {  	_ =	shalt  }
0x4a: {  	_ =	shalt  }
0x4b: {  	_ =	shalt  }
0x4c: {  	_ =	shalt  }
0x4d: {  	_ =	shalt  }
0x4e: {  	_ =	shalt  }
0x4f: {  	_ =	shalt  }
0x50: {  	_ =	shalt  }
0x51: {  	_ =	shalt  }
0x52: {  	_ =	shalt  }
0x53: {  	_ =	shalt  }
0x54: {  	_ =	shalt  }
0x55: {  	_ =	shalt  }
0x56: {  	_ =	shalt  }
0x57: {  	_ =	shalt  }
0x58: {  	_ =	shalt  }
0x59: {  	_ =	shalt  }
0x5a: {  	_ =	shalt  }
0x5b: {  	_ =	shalt  }
0x5c: {  	_ =	shalt  }
0x5d: {  	_ =	shalt  }
0x5e: {  	_ =	shalt  }
0x5f: {  	_ =	shalt  }
0x60: {  	_ =	shalt  }
0x61: {  	_ =	shalt  }
0x62: {  	_ =	shalt  }
0x63: {  	_ =	shalt  }
0x64: {  	_ =	shalt  }
0x65: {  	_ =	shalt  }
0x66: {  	_ =	shalt  }
0x67: {  	_ =	shalt  }
0x68: {  	_ =	shalt  }
0x69: {  	_ =	shalt  }
0x6a: {  	_ =	shalt  }
0x6b: {  	_ =	shalt  }
0x6c: {  	_ =	shalt  }
0x6d: {  	_ =	shalt  }
0x6e: {  	_ =	shalt  }
0x6f: {  	_ =	shalt  }
0x70: {  	_ =	shalt  }
0x71: {  	_ =	shalt  }
0x72: {  	_ =	shalt  }
0x73: {  	_ =	shalt  }
0x74: {  	_ =	shalt  }
0x75: {  	_ =	shalt  }
0x76: {  	_ =	shalt  }
0x77: {  	_ =	shalt  }
0x78: {  	_ =	shalt  }
0x79: {  	_ =	shalt  }
0x7a: {  	_ =	shalt  }
0x7b: {  	_ =	shalt  }
0x7c: {  	_ =	shalt  }
0x7d: {  	_ =	shalt  }
0x7e: {  	_ =	shalt  }
0x7f: {  	_ =	shalt  }
0x80: {  	_ =	shalt  }
0x81: {  	_ =	shalt  }
0x82: {  	_ =	shalt  }
0x83: {  	_ =	shalt  }
0x84: {  	_ =	shalt  }
0x85: {  	_ =	shalt  }
0x86: {  	_ =	shalt  }
0x87: {  	_ =	shalt  }
.Lfunc_end0:
.L_simem_size_0:
called_computation_lowered:
.L_overlay_start_0:
0x88: {  	s2 =	sld [smem:$0x3FD9]  }
0x89: {  	s3 =	sld [smem:$0x3FFE];
	_ =	sdelay $0x1  }
0x8a: {  	s1 =	srdreg.scid  }
0x8b: {  	s0 =	sand.u32 $0x1, s1  }
0x8c: {  	s18 =	sshll.u32 s0, $0xA;
	s2 =	sadd.s32 s3, s2  }
0x8d: {  	s2 =	sadd.s32 s2, s18  }
0x8e: {  	[smem:$0x3FC6] =	sst s2  }
0x8f: {  	_ = 	snop  }
0x90: {  	s2 =	sld [smem:$0x3FC9]  }
0x91: {  	s19 =	sld [smem:$0x3FC8]  }
0x92: {  	s4 =	sld [smem:$0x3FD0];
	(tm) =	ssettm $0x1  }
0x93: {  	s5 =	sld [smem:$0x3FFB];
	_ =	sdelay $0x3  }
0x94: {  	_ =	strace s5  }
0x95: {  	s5 =	sld [smem:$0x3FFC];
	_ =	sdelay $0x3  }
0x96: {  	_ =	strace s5  }
0x97: {  	s5 =	sld [smem:$0x3FFD];
	_ =	sdelay $0x3  }
0x98: {  	_ =	strace s5  }
0x99: {  	_ =	strace $0x8FFFFFFF  }
0x9a: {  	s20 =	sld [smem:$0x3FDB];
	_ =	sdelay $0x1  }
0x9b: {  	s6 =	simm.s32 $_scs_section_size  }
0x9c: {  	s7 =	simm.s32 $_size__tile_overlayer_lowered;
	s8 =	simm.s32 $_tile_overlayer_lowered  }
0x9d: {  	s23 =	simm.s32 $0x1BFF;
	s22 =	sshll.u32 s8, $0x1;
	s5 =	sadd.s32 s6, s20  }
0x9e: {  	s9 =	simm.s32 $0x0;
	s21 =	sshll.u32 s7, $0x1;
	s7 =	sadd.s32 s22, s5  }
0x9f: {  	[timem:s9], [sflag:s23] =	dma.local [hbm:s7], s21  }
0xa0: {  	_ =	swait.ge [sflag:s23], s21  }
0xa1: {  	s6 =	ssub.s32 $0x0, s21;
	[sflag:s23] =	ssyncset.done $0x0  }
0xa2: {  	[sflag:s23] =	ssyncadd.s32 s6;
	_ =	sdelay $0x1  }
0xa3: {  	s24 =	simm.s32 $0x1B8B  }
0xa4: {  	_ =	swait.ge [sflag:s24], $0x1  }
0xa5: {  	[sflag:s24] =	ssyncset.done $0x0  }
0xa6: {  	s25 =	simm.s32 $0x1B8E;
	[sflag:s24] =	ssyncadd.s32 $0xFFFFFFFF  }
0xa7: {  	s26 =	simm.s32 $execute0_lowered;
	[smem:$0x3FD2] =	sst s25  }
0xa8: {  	s6 =	sshll.u32 s26, $0x1;
	_ =	strace $0x80000046;
	[dreg:$0x1] =	wrdreg $0xFFFFFFFF  }
0xa9: {  	s28 =	simm.s32 $_size_execute0_lowered;
	s5 =	sadd.s32 s5, s6;
	[dreg:$0x0] =	wrdreg $0x0  }
0xaa: {  	s6 =	sshll.u32 s28, $0x1;
	[dreg:$0x2] =	wrdreg s5  }
0xab: {  	[dreg:$0x3] =	wrdreg s6  }
0xac: {  	[dreg:$0x4] =	wrdreg $0xC0  }
0xad: {  	_ =	task [dreg:s9], $0x5FFFF  }
0xae: {  	[dreg:$0x1] =	wrdreg $0xFFFFFFFF  }
0xaf: {  	[dreg:$0x0] =	wrdreg $0x60  }
0xb0: {  	[dreg:$0x2] =	wrdreg s2  }
0xb1: {  	[dreg:$0x3] =	wrdreg s19  }
0xb2: {  	[dreg:$0x4] =	wrdreg s4  }
0xb3: {  	[dreg:$0x5] =	wrdreg $0x9  }
0xb4: {  	_ =	task.clear_ibuf [dreg:s9], $0x6FFFF;
	_ =	strace $0x90000046  }
0xb5: {  	s29 =	simm.s32 $0x9;
	_ =	strace $0x80000048  }
0xb6: {  	_ =	swait.ge [sflag:s29], $0x1  }
0xb7: {  	[sflag:s29] =	ssyncadd.s32 $0xFFFFFFFF  }
0xb8: {  	_ =	strace $0x90000048  }
0xb9: {  	_ =	sfence  }
0xba: {  	s30 =	sld [smem:$0x0];
	_ =	sdelay $0x2  }
0xbb: {  	s31 =	sshll.u32 s1, $0xD;
	s1 =	sshrl.u32 s1, $0x2  }
0xbc: {  	s3 =	sand.u32 $0x4000, s31;
	s1 =	sadd.s32 s1, s30  }
0xbd: {  	s0 =	sor.u32 s3, s0;
	s1 =	sshll.u32 s1, $0x11  }
0xbe: {  	s0 =	sor.u32 s1, s0  }
0xbf: {  	s0 =	sadd.s32 $0x8F2B, s0  }
0xc0: {  	[sflag:s0] =	ssyncadd.remote.s32 $0x1  }
0xc1: {  	_ =	sfence.sel $0xFFFF  }
0xc2: {  	[dreg:$0x0] =	wrdreg $0xFFFFFFFF;
	(pc) =	sbr.abs _section_cstart, $3  }
0xc3: {  	[dreg:$0x1] =	wrdreg $0xFFFFFFFF  }
0xc4: {  	_ =	task.clear_ibuf [dreg:s9], $0x2FFFF;
	_ =	strace $0x9FFFFFFF  }
0xc5: {  	(tm) =	ssettm $0x7FFFFFFF  }
tec
execute0_lowered:
.L_overlay_start_1:
0x0: {  	(tag) =	ssettag $0x1  }
0x1: {  	s0 =	rddreg [dreg:$0x0]  }
0x2: {  	s2 =	rddreg [dreg:$0x1]  }
0x3: {  	s1 =	rddreg [dreg:$0x2];
	s4 =	srdreg.scid  }
0x4: {  	s5 =	stileid.u32;
	s3 =	simm.s32 $0x0;
	s8 =	simm.s32 $0x15  }
0x5: {  	s9 =	simm.s32 $0x40;
	s25 =	simm.s32 $0xB;
	s28 =	simm.s32 $0xD  }
0x6: {  	s29 =	simm.s32 $0xE;
	s30 =	simm.s32 $0xF;
	s31 =	simm.s32 $0x10  }
0x7: {  	s10 =	simm.s32 $0x14;
	s4 =	sand.u32 $0x1, s4;
	s5 =	sshll.u32 s5, $0x1  }
0x8: {  	s11 =	simm.s32 $0x0;
	s6 =	ssub.s32 $0x2, s4;
	s4 =	sor.u32 s4, s5  }
0x9: {  	[smem:$0x7FF] =	sst s3;
	s7 =	sshll.u32 s4, $0xB;
	s4 =	sshll.u32 s4, $0x4  }
0xa: {  	_ =	strace $0x80000047;
	s26 =	sshrl.u32 s6, $0x1;
	s0 =	sadd.s32 s0, s4  }
0xb: {  	s5 =	ssub.s32 s6, s26;
	s1 =	sadd.s32 s1, s7;
	[dreg:$0x5] =	wrdreg s0  }
0xc: {  	s26 =	simm.s32 $0xC;
	s7 =	simm.s32 $0x13;
	[dreg:$0x4] =	wrdreg s1  }
0xd: {  	s5 =	smax.u32 s5, $0x1;
	s0 =	simm.s32 $0x11;
	s1 =	simm.s32 $0x12  }
.LBB2_1:
0xe: {  	s4 =	rddreg [dreg:$0x5]  }
0xf: {  	s6 =	simm.s32 $0x80;
	s12 =	simm.s32 $0x1000;
	s22 =	simm.s32 $0x1C00  }
0x10: {  	[tilespmem:s3], [sflag:$0x15] =	stream.strided.gather [hbm4b:s4+s6], $0x1900, s12, s6, $0x38;
	[tilespmem:$0x15C00] =	vst v63  }
0x11: {  	s23 =	simm.s32 $0x3C00;
	s24 =	simm.s32 $0x5C00;
	_ =	swait.ge [sflag:s8], $0x1900  }
0x12: {  	s13 =	simm.s32 $0x7C00;
	s14 =	simm.s32 $0x100;
	[sflag:s8] =	ssyncset.done $0x0  }
0x13: {  	s15 =	simm.s32 $0x9C00;
	s16 =	simm.s32 $0x140;
	[sflag:s8] =	ssyncadd.s32 $0xFFFFE700  }
0x14: {  	[tilespmem:s22], [sflag:$0x1] =	stream.indirect.gather [hbm4b:s2+s9], $0x80, s3, s9, $0xb8;
	[tilespmem:$0x15C00] =	vst v63  }
0x15: {  	s17 =	simm.s32 $0xBC00;
	s18 =	simm.s32 $0x180;
	s19 =	simm.s32 $0xDC00  }
0x16: {  	[tilespmem:s23], [sflag:$0x2] =	stream.indirect.gather [hbm4b:s2+s9], $0x80, s9, s9, $0xb8;
	[tilespmem:$0x15C00] =	vst v63  }
0x17: {  	s20 =	simm.s32 $0x1C0;
	s21 =	simm.s32 $0xFC00;
	p0 =	por $0x0, $0x0  }
0x18: {  	[tilespmem:s24], [sflag:$0x3] =	stream.indirect.gather [hbm4b:s2+s9], $0x80, s6, s9, $0xb8;
	[tilespmem:$0x15C00] =	vst v63  }
0x19: {  	s12 =	simm.s32 $0xC0;
	p1 =	por @!p0 $0x1, $0x1;
	s22 =	simm.s32 $0x9  }
0x1a: {  	[tilespmem:s13], [sflag:$0x4] =	stream.indirect.gather [hbm4b:s2+s9], $0x80, s12, s9, $0xb8;
	[tilespmem:$0x15C00] =	vst v63  }
0x1b: {  	p1 =	por p1, p0;
	s23 =	simm.s32 $0x200;
	s12 =	smul.u32 $0xCD, s22  }
0x1c: {  	[tilespmem:s15], [sflag:$0x5] =	stream.indirect.gather [hbm4b:s2+s9], $0x80, s14, s9, $0xb8;
	[tilespmem:$0x15C00] =	vst v63  }
0x1d: {  	s24 =	simm.s32 $0x11C00;
	s13 =	sadd.s32 $0xFFFFF8CB, s12;
	s12 =	sshrl.u32 s12, $0xB  }
0x1e: {  	s15 =	simm.s32 $0x900;
	s14 =	simm.s32 $0xA;
	s13 =	sshrl.u32 s13, $0xB  }
0x1f: {  	[tilespmem:s17], [sflag:$0x6] =	stream.indirect.gather [hbm4b:s2+s9], $0x80, s16, s9, $0xb8;
	[tilespmem:$0x15C00] =	vst v63  }
0x20: {  	s12 =	sand.u32 $0x1F, s12;
	s15 =	sand.u32 @!p0 $0xFE00, s15;
	s13 =	sand.u32 $0x1F, s13  }
0x21: {  	s12 =	smul.u32 $0xA, s12;
	s17 =	simm.s32 $0x240;
	s16 =	simm.s32 $0xB  }
0x22: {  	s15 =	sshrl.u32 @!p0 s15, $0x2;
	s13 =	smul.u32 $0xA, s13;
	s17 =	sand.u32 @!p0 $0x40, s17  }
0x23: {  	[tilespmem:s19], [sflag:$0x7] =	stream.indirect.gather [hbm4b:s2+s9], $0x80, s18, s9, $0xb8;
	[tilespmem:$0x15C00] =	vst v63  }
0x24: {  	s12 =	ssub.s32 $0x9, s12;
	s18 =	sor.u32 @!p0 s17, s15;
	s13 =	ssub.s32 $0x0, s13  }
0x25: {  	[tilespmem:s21], [sflag:$0x8] =	stream.indirect.gather [hbm4b:s2+s9], $0x80, s20, s9, $0xb8;
	[tilespmem:$0x15C00] =	vst v63  }
0x26: {  	s15 =	simm.s32 $0x400;
	s19 =	sand.u32 $0xFF, s12;
	s13 =	sand.u32 $0xFF, s13  }
0x27: {  	s12 =	simm.s32 $0x8000;
	s22 =	sshll.u32 @!p0 s19, $0xD;
	s6 =	sadd.s32 $0x1, s13  }
0x28: {  	[tilespmem:s24], [sflag:$0x9] =	stream.indirect.gather [hbm4b:s2+s9], $0x80, s23, s9, $0xb8;
	[tilespmem:$0x15C00] =	vst v63  }
0x29: {  	s20 =	sshll.u32 s13, $0xD;
	s13 =	sadd.s32 $0xB, s13;
	_ =	swait.ge [sflag:s6], $0x2000  }
0x2a: {  	s23 =	sand.u32 $0x400, s3;
	s24 =	sand.u32 $0x3F0000, s3;
	s21 =	rddreg [dreg:$0x4]  }
0x2b: {  	s20 =	sor.u32 $0x1C00, s20;
	[sflag:s6] =	ssyncset.done $0x0;
	s21 =	sadd.s32 s23, s21  }
0x2c: {  	[sflag:s6] =	ssyncadd.s32 $0xFFFFE000;
	s23 =	sadd.s32 @!p1 $0xB, s19;
	s17 =	sadd.s32 s24, s21  }
0x2d: {  	[hbm4b:s17+s3] =	stream.linear.scatter [tilespmem:s20], [sflag:s13], $0x2000, $0x38;
	[tilespmem:$0x15C00] =	vst v63  }
0x2e: {  	s22 =	sor.u32 @!p0 $0x1C00, s22;
	s21 =	simm.s32 @!p0 $0x40;
	_ =	swait.ge @!p1 [sflag:s23], $0x2000  }
0x2f: {  	s17 =	simm.s32 $0xA00;
	s13 =	simm.s32 $0x280;
	[sflag:s23] =	ssyncset.done @!p1 $0x0  }
0x30: {  	s20 =	sadd.s32 @!p0 $0x1, s19;
	s19 =	smul.u32 $0xCD, s14;
	[sflag:s23] =	ssyncadd.s32 @!p1 $0xFFFFE000  }
.LBB2_2:
0x31: {  	[tilespmem:s22], [sflag:s20] =	stream.indirect.gather @!p0 [hbm4b:s2+s21], $0x80, s18, s21, $0xb8;
	[tilespmem:$0x15C00] =	vst v63  }
0x32: {  	s20 =	smov.u32 s16;
	s21 =	smov.u32 s12  }
0x33: {  	s16 =	sadd.s32 $0x1, s16;
	s24 =	sadd.s32 $0xFFFFF8CB, s19;
	s4 =	sshrl.u32 s19, $0xB  }
0x34: {  	s6 =	sadd.s32 $0xFFFFFFF7, s14;
	s18 =	sshrl.u32 s24, $0xB;
	s19 =	sand.u32 $0x1F, s4  }
0x35: {  	s12 =	sadd.s32 $0x8000, s12;
	s18 =	sand.u32 $0x1F, s18;
	s19 =	smul.u32 $0xA, s19  }
0x36: {  	p1 =	sne.s32 s16, $0x6D;
	p0 =	sgt.u32 s6, $0x5A;
	s18 =	smul.u32 $0xA, s18  }
0x37: {  	s21 =	sand.u32 $0x3F0000, s21;
	p2 =	seq.s32 @!p0 s14, $0x9;
	s19 =	ssub.s32 s14, s19  }
0x38: {  	p2 =	por p2, p0;
	s18 =	ssub.s32 s6, s18;
	s19 =	sand.u32 $0xFF, s19  }
0x39: {  	s6 =	sand.u32 @!p0 $0x40, s13;
	s13 =	sadd.s32 $0x40, s13;
	s22 =	sand.u32 $0xFF, s18  }
0x3a: {  	s23 =	sshll.u32 @!p0 s19, $0xD;
	s18 =	sand.u32 @!p0 $0xFE00, s17;
	s14 =	sadd.s32 $0x1, s22  }
0x3b: {  	s24 =	sshll.u32 s22, $0xD;
	s18 =	sshrl.u32 @!p0 s18, $0x2;
	_ =	swait.ge [sflag:s14], $0x2000  }
0x3c: {  	s22 =	sadd.s32 $0xB, s22;
	[sflag:s14] =	ssyncset.done $0x0;
	s4 =	rddreg [dreg:$0x4]  }
0x3d: {  	[sflag:s14] =	ssyncadd.s32 $0xFFFFE000;
	s14 =	smov.u32 s20;
	s20 =	sand.u32 $0x400, s15  }
0x3e: {  	s18 =	sor.u32 @!p0 s6, s18;
	s6 =	sadd.s32 @!p2 $0xB, s19;
	s4 =	sadd.s32 s20, s4  }
.Ltmp0:
0x3f: {  	s24 =	sor.u32 $0x1C00, s24;
	s4 =	sadd.s32 s21, s4;
	(pc) =	sbr.rel @p1 .LBB2_2-.Ltmp0, $4  }
0x40: {  	[hbm4b:s4+s3] =	stream.linear.scatter [tilespmem:s24], [sflag:s22], $0x2000, $0x38;
	[tilespmem:$0x15C00] =	vst v63  }
0x41: {  	s17 =	sadd.s32 $0x100, s17;
	s15 =	sadd.s32 $0x400, s15;
	_ =	swait.ge @!p2 [sflag:s6], $0x2000  }
0x42: {  	s20 =	sadd.s32 @!p0 $0x1, s19;
	s19 =	smul.u32 $0xCD, s14;
	[sflag:s6] =	ssyncset.done @!p2 $0x0  }
0x43: {  	s21 =	simm.s32 @!p0 $0x40;
	s22 =	sor.u32 @!p0 $0x1C00, s23;
	[sflag:s6] =	ssyncadd.s32 @!p2 $0xFFFFE000  }
0x44: {  	[tilespmem:s22], [sflag:s20] =	stream.indirect.gather @!p0 [hbm4b:s2+s21], $0x80, s18, s21, $0xb8;
	[tilespmem:$0x15C00] =	vst v63  }
0x45: {  	s4 =	sadd.s32 $0xFFFFF8CB, s19  }
0x46: {  	s4 =	sshrl.u32 s4, $0xB  }
0x47: {  	s6 =	sshrl.u32 s19, $0xB;
	s4 =	sand.u32 $0x1F, s4  }
0x48: {  	s6 =	sand.u32 $0x1F, s6;
	s4 =	smul.u32 $0xA, s4  }
0x49: {  	s16 =	sadd.s32 $0xFFFFFFF7, s14;
	s15 =	sand.u32 $0x400, s15;
	s6 =	smul.u32 $0xA, s6  }
0x4a: {  	s12 =	sand.u32 $0x3F0000, s12;
	p0 =	sgt.u32 s16, $0x5A;
	s4 =	ssub.s32 s16, s4  }
0x4b: {  	p1 =	seq.s32 @!p0 s14, $0x9;
	s6 =	ssub.s32 s14, s6;
	s4 =	sand.u32 $0xFF, s4  }
0x4c: {  	s17 =	sand.u32 @!p0 $0xFE00, s17;
	s6 =	sand.u32 $0xFF, s6;
	s21 =	sadd.s32 $0x1, s4  }
0x4d: {  	p1 =	por p1, p0;
	s14 =	sshll.u32 @!p0 s6, $0xD;
	_ =	swait.ge [sflag:s21], $0x2000  }
0x4e: {  	s16 =	sadd.s32 @!p1 $0xB, s6;
	s23 =	sshll.u32 s4, $0xD;
	s22 =	rddreg [dreg:$0x4]  }
0x4f: {  	s4 =	sadd.s32 $0xB, s4;
	[sflag:s21] =	ssyncset.done $0x0;
	s15 =	sadd.s32 s15, s22  }
0x50: {  	s24 =	sor.u32 $0x1C00, s23;
	[sflag:s21] =	ssyncadd.s32 $0xFFFFE000;
	s12 =	sadd.s32 s12, s15  }
0x51: {  	[hbm4b:s12+s3] =	stream.linear.scatter [tilespmem:s24], [sflag:s4], $0x2000, $0x38;
	[tilespmem:$0x15C00] =	vst v63  }
0x52: {  	s6 =	sadd.s32 @!p0 $0x1, s6;
	s4 =	sand.u32 @!p0 $0x40, s13;
	_ =	swait.ge @!p1 [sflag:s16], $0x2000  }
0x53: {  	s12 =	sshrl.u32 @!p0 s17, $0x2;
	s13 =	sor.u32 @!p0 $0x1C00, s14;
	[sflag:s16] =	ssyncset.done @!p1 $0x0  }
0x54: {  	s4 =	sor.u32 @!p0 s4, s12;
	s12 =	simm.s32 @!p0 $0x40;
	[sflag:s16] =	ssyncadd.s32 @!p1 $0xFFFFE000  }
0x55: {  	[tilespmem:s13], [sflag:s6] =	stream.indirect.gather @!p0 [hbm4b:s2+s12], $0x80, s4, s12, $0xb8;
	[tilespmem:$0x15C00] =	vst v63  }
0x56: {  	_ =	swait.ge [sflag:s25], $0x2000  }
0x57: {  	[sflag:s25] =	ssyncset.done $0x0  }
0x58: {  	[sflag:s25] =	ssyncadd.s32 $0xFFFFE000  }
0x59: {  	_ =	swait.ge [sflag:s26], $0x2000  }
0x5a: {  	[sflag:s26] =	ssyncset.done $0x0  }
0x5b: {  	[sflag:s26] =	ssyncadd.s32 $0xFFFFE000  }
0x5c: {  	_ =	swait.ge [sflag:s28], $0x2000  }
0x5d: {  	[sflag:s28] =	ssyncset.done $0x0  }
0x5e: {  	[sflag:s28] =	ssyncadd.s32 $0xFFFFE000  }
0x5f: {  	_ =	swait.ge [sflag:s29], $0x2000  }
0x60: {  	[sflag:s29] =	ssyncset.done $0x0  }
0x61: {  	[sflag:s29] =	ssyncadd.s32 $0xFFFFE000  }
0x62: {  	_ =	swait.ge [sflag:s30], $0x2000  }
0x63: {  	[sflag:s30] =	ssyncset.done $0x0  }
0x64: {  	[sflag:s30] =	ssyncadd.s32 $0xFFFFE000  }
0x65: {  	_ =	swait.ge [sflag:s31], $0x2000  }
0x66: {  	[sflag:s31] =	ssyncset.done $0x0  }
0x67: {  	[sflag:s31] =	ssyncadd.s32 $0xFFFFE000  }
0x68: {  	_ =	swait.ge [sflag:s0], $0x2000  }
0x69: {  	[sflag:s0] =	ssyncset.done $0x0  }
0x6a: {  	[sflag:s0] =	ssyncadd.s32 $0xFFFFE000  }
0x6b: {  	_ =	swait.ge [sflag:s1], $0x2000  }
0x6c: {  	[sflag:s1] =	ssyncset.done $0x0  }
0x6d: {  	s11 =	sadd.s32 $0x1, s11;
	[sflag:s1] =	ssyncadd.s32 $0xFFFFE000  }
0x6e: {  	p0 =	sne.s32 s11, s5;
	_ =	swait.ge [sflag:s7], $0x2000  }
.Ltmp1:
0x6f: {  	[sflag:s7] =	ssyncset.done $0x0;
	(pc) =	sbr.rel @p0 .LBB2_1-.Ltmp1, $4  }
0x70: {  	[sflag:s7] =	ssyncadd.s32 $0xFFFFE000  }
0x71: {  	_ =	swait.ge [sflag:s10], $0x2000  }
0x72: {  	[sflag:s10] =	ssyncset.done $0x0  }
0x73: {  	[sflag:s10] =	ssyncadd.s32 $0xFFFFE000  }
0x74: {  	_ =	sfence.sel $0x180000  }
0x75: {  	[bflag:$0x0] =	sbarrier.arrive $0xFFFF  }
0x76: {  	_ =	strace $0x90000047  }
0x77: {  	s0 =	stileid.u32;
	[bflag:$0x2] =	sbarrier.arrive $0xFFFF  }
0x78: {  	p0 =	sne.s32 s0, $0x0;
	s0 =	rddreg [dreg:$0x3]  }
0x79: {  	s0 =	sadd.s32 @!p0 $0x100000, s0  }
0x7a: {  	[sflag:s0] =	ssyncadd.tile.s32 @!p0 $0x1;
	_ =	shalt  }
.Lfunc_end2:
_tile_overlayer_lowered:
.L_overlay_start_2:
0x7b: {  	(tag) =	ssettag $0x2  }
0x7c: {  	s0 =	rddreg [dreg:$0x0];
	s2 =	stileid.u32  }
0x7d: {  	s1 =	rddreg [dreg:$0x1];
	p0 =	sne.s32 s2, $0x0  }
0x7e: {  	s3 =	rddreg [dreg:$0x2];
	[bflag:$0x3] =	sbarrier.arrive $0xFFFF;
	s2 =	simm.s32 @!p0 $0x1C15  }
0x7f: {  	[timem:s3], [sflag:s2] =	dma.local @!p0 [hbm:s0], s1  }
0x80: {  	s0 =	simm.s32 @!p0 $0x15  }
0x81: {  	_ =	swait.ge @!p0 [sflag:s0], s1  }
0x82: {  	s1 =	ssub.s32 @!p0 $0x0, s1;
	[sflag:s0] =	ssyncset.done @!p0 $0x0  }
0x83: {  	[sflag:s0] =	ssyncadd.s32 @!p0 s1  }
0x84: {  	[bflag:$0x3] =	sbarrier.arrive $0xFFFF  }
0x85: {  	_ =	shalt  }

</sc_bundles>
